<compile_context>
chip_gen: v7x
topology: tpu7x:2x2x1
jax: 0.10.2.dev20260603
libtpu: 0.0.44.dev20260713+nightly
codegen_flags: <defaults>
</compile_context>

<pallas_src>
import jax
import jax.numpy as jnp
from jax import lax
from jax.experimental import pallas as pl
from jax.experimental.pallas import tpu as pltpu
from jax.experimental.pallas import tpu_sc as plsc

VOCAB = 1_000_000
D = 64
DPAD = 128
B_TOTAL = 4096 * 200
NC, NS = 2, 16
NW = NC * NS
PER_W = B_TOTAL // NW
CHUNK = 128
NCH = PER_W // CHUNK
NB = 6
NITER = (NCH + NB - 1) // NB
SCALE = 8.0

TCB = 8192
TC_GRID = (VOCAB + TCB - 1) // TCB


def _tc_body(tt_ref, out_ref):
  r = lax.broadcasted_iota(jnp.int32, (D, DPAD), 0)
  c = lax.broadcasted_iota(jnp.int32, (D, DPAD), 1)
  ident2 = jnp.where(r == c % D, SCALE, 0.0).astype(jnp.float32)
  out_ref[...] = lax.dot_general(
      tt_ref[...], ident2, (((0,), (0,)), ((), ())),
      preferred_element_type=jnp.float32)


def _sc_body(table_ref, idx_ref, out_ref,
             idxv,
             gb0, gb1, gb2, gb3, gb4, gb5,
             gs0, gs1, gs2, gs3, gs4, gs5,
             os0, os1, os2, os3, os4, os5):
  gb = [gb0, gb1, gb2, gb3, gb4, gb5]
  gsem = [gs0, gs1, gs2, gs3, gs4, gs5]
  osem = [os0, os1, os2, os3, os4, os5]

  wid = lax.axis_index("s") * NC + lax.axis_index("c")
  base_row = wid * NCH
  base_out = wid * PER_W

  pltpu.sync_copy(idx_ref.at[pl.ds(base_row, NCH)], idxv)

  for b in range(NB):
    pltpu.async_copy(table_ref.at[idxv.at[b]], gb[b], gsem[b])

  def outer(g, carry):
    for b in range(NB):
      j = g * NB + b

      @pl.when(j < NCH)
      def _():
        pltpu.make_async_copy(table_ref.at[idxv.at[j]], gb[b], gsem[b]).wait()

        pltpu.async_copy(
            gb[b], out_ref.at[pl.ds(base_out + j * CHUNK, CHUNK)], osem[b])

        @pl.when(j + NB < NCH)
        def _():
          pltpu.make_async_copy(
              gb[b], out_ref.at[pl.ds(base_out, CHUNK)], osem[b]).wait()
          pltpu.async_copy(table_ref.at[idxv.at[j + NB]], gb[b], gsem[b])
    return carry

  lax.fori_loop(0, NITER, outer, 0)

  for b in range(NB):
    pltpu.make_async_copy(
        gb[b], out_ref.at[pl.ds(base_out, CHUNK)], osem[b]).wait()


def kernel(x, table):
  idx = x.astype(jnp.int32).reshape(NW * NCH, CHUNK)

  tablep = pl.pallas_call(
      _tc_body,
      grid=(TC_GRID,),
      in_specs=[pl.BlockSpec((D, TCB), lambda i: (0, i))],
      out_specs=pl.BlockSpec((TCB, DPAD), lambda i: (i, 0)),
      out_shape=jax.ShapeDtypeStruct((TC_GRID * TCB, DPAD), jnp.float32),
  )(table.T)

  mesh = plsc.VectorSubcoreMesh(core_axis_name="c", subcore_axis_name="s")
  k = pl.kernel(
      _sc_body,
      mesh=mesh,
      compiler_params=pltpu.CompilerParams(use_tc_tiling_on_sc=True),
      out_type=jax.ShapeDtypeStruct((B_TOTAL, DPAD), jnp.float32),
      scratch_types=(
          [pltpu.VMEM((NCH, CHUNK), jnp.int32)]
          + [pltpu.VMEM((CHUNK, DPAD), jnp.float32) for _ in range(NB)]
          + [pltpu.SemaphoreType.DMA for _ in range(2 * NB)]
      ),
  )
  out = k(tablep, idx)
  return out[:, :D].reshape(4096, 200, D)

# --- scband reference (transcript-rebuilt; emitter-appended) ---
"""Pipeline reference for scband-input-embeddings-31516470018109 (READ-ONLY COPY).

The authoritative reference and input builder live on the scoring server;
editing this copy changes nothing except your own understanding.
"""

import jax, jax.numpy as jnp
import numpy as np

VOCAB_SIZE = 1000000
D_MODEL = 64

def setup_inputs(seed: int = 0) -> dict:
    key = jax.random.key(seed)
    k1, k2 = jax.random.split(key)
    x = jax.random.randint(k1, (4096, 200), 0, VOCAB_SIZE, dtype=jnp.int64 if jax.config.jax_enable_x64 else jnp.int32)
    table = jax.random.normal(k2, (VOCAB_SIZE, D_MODEL), dtype=jnp.float32)
    return {"x": x, "table": table}

def reference(x, table):
    # embedding lookup (gather) scaled by sqrt(d_model)
    emb = jnp.take(table, x, axis=0)
    return emb * jnp.sqrt(jnp.asarray(D_MODEL, dtype=jnp.float32))

if __name__ == "__main__":
    import jax
    _d = setup_inputs()
    print(jax.jit(kernel)(*tuple(_d.values())))

</pallas_src>

<mosaic_0001>
#map = affine_map<(d0, d1) -> (0, 0)>
module attributes {stable_mosaic.version = 14 : i64} {
  func.func @_sc_body(%arg0: i32, %arg1: i32, %arg2: memref<1007616x128xf32, #tpu.memory_space<hbm>>, %arg3: memref<6400x128xi32, #tpu.memory_space<hbm>>, %arg4: memref<819200x128xf32, #tpu.memory_space<hbm>>, %arg5: memref<200x128xi32, #tpu.memory_space<vmem>>, %arg6: memref<128x128xf32, #tpu.memory_space<vmem>>, %arg7: memref<128x128xf32, #tpu.memory_space<vmem>>, %arg8: memref<128x128xf32, #tpu.memory_space<vmem>>, %arg9: memref<128x128xf32, #tpu.memory_space<vmem>>, %arg10: memref<128x128xf32, #tpu.memory_space<vmem>>, %arg11: memref<128x128xf32, #tpu.memory_space<vmem>>, %arg12: memref<!tpu.dma_semaphore, #tpu.memory_space<semaphore_mem>>, %arg13: memref<!tpu.dma_semaphore, #tpu.memory_space<semaphore_mem>>, %arg14: memref<!tpu.dma_semaphore, #tpu.memory_space<semaphore_mem>>, %arg15: memref<!tpu.dma_semaphore, #tpu.memory_space<semaphore_mem>>, %arg16: memref<!tpu.dma_semaphore, #tpu.memory_space<semaphore_mem>>, %arg17: memref<!tpu.dma_semaphore, #tpu.memory_space<semaphore_mem>>, %arg18: memref<!tpu.dma_semaphore, #tpu.memory_space<semaphore_mem>>, %arg19: memref<!tpu.dma_semaphore, #tpu.memory_space<semaphore_mem>>, %arg20: memref<!tpu.dma_semaphore, #tpu.memory_space<semaphore_mem>>, %arg21: memref<!tpu.dma_semaphore, #tpu.memory_space<semaphore_mem>>, %arg22: memref<!tpu.dma_semaphore, #tpu.memory_space<semaphore_mem>>, %arg23: memref<!tpu.dma_semaphore, #tpu.memory_space<semaphore_mem>>) attributes {dimension_semantics = [#tpu.dimension_semantics<core_parallel>, #tpu.dimension_semantics<subcore_parallel>], iteration_bounds = array<i64: 2, 16>, scalar_prefetch = 0 : i64, scratch_operands = 19 : i64, tpu.core_type = #tpu.core_type<sc_vector_subcore>, window_params = [{transform_indices = #map}, {transform_indices = #map}, {transform_indices = #map}]} {
    %mul3A = arith.constant 2 : i32
    %mul3A_0 = arith.muli %arg1, %mul3A : i32
    %add3A = arith.addi %mul3A_0, %arg0 : i32
    %mul3A_1 = arith.constant 200 : i32
    %mul3A_2 = arith.muli %add3A, %mul3A_1 : i32
    %mul3A_3 = arith.constant 25600 : i32
    %mul3A_4 = arith.muli %add3A, %mul3A_3 : i32
    "tpu.region"() ({
      %run_scoped3A = tpu.sem_alloc : memref<!tpu.dma_semaphore, #tpu.memory_space<semaphore_mem>>
      %dma_start3A_74 = arith.constant 0 : i32
      %dma_start3A_75 = tpu.memref_slice %arg3[%mul3A_2, %dma_start3A_74] : memref<6400x128xi32, #tpu.memory_space<hbm>> -> memref<200x128xi32, #tpu.memory_space<hbm>>
      %dma_start3A_76 = arith.constant 0 : i32
      %dma_start3A_77 = tpu.memref_slice %arg3[%mul3A_2, %dma_start3A_76] : memref<6400x128xi32, #tpu.memory_space<hbm>> -> memref<200x128xi32, #tpu.memory_space<hbm>>
      tpu.enqueue_dma source(%dma_start3A_77 : memref<200x128xi32, #tpu.memory_space<hbm>>) target(%arg5 : memref<200x128xi32, #tpu.memory_space<vmem>>) target_semaphore(%run_scoped3A : memref<!tpu.dma_semaphore, #tpu.memory_space<semaphore_mem>>)
      %dma_wait3A_78 = arith.constant 0 : i32
      %dma_wait3A_79 = tpu.memref_slice %arg3[%mul3A_2, %dma_wait3A_78] : memref<6400x128xi32, #tpu.memory_space<hbm>> -> memref<200x128xi32, #tpu.memory_space<hbm>>
      %dma_wait3A_80 = arith.constant 0 : i32
      %dma_wait3A_81 = tpu.memref_slice %arg3[%mul3A_2, %dma_wait3A_80] : memref<6400x128xi32, #tpu.memory_space<hbm>> -> memref<200x128xi32, #tpu.memory_space<hbm>>
      tpu.wait_dma2 semaphore(%run_scoped3A : memref<!tpu.dma_semaphore, #tpu.memory_space<semaphore_mem>>) src(%dma_wait3A_81 : memref<200x128xi32, #tpu.memory_space<hbm>>) dst(%arg5 : memref<200x128xi32, #tpu.memory_space<vmem>>)
      tpu.yield
    }) : () -> ()
    %dma_start3A = arith.constant 0 : i32
    %dma_start3A_5 = arith.constant 0 : i32
    %dma_start3A_6 = tpu.memref_slice %arg5[%dma_start3A, %dma_start3A_5] : memref<200x128xi32, #tpu.memory_space<vmem>> -> memref<1x128xi32, #tpu.memory_space<vmem>>
    %dma_start3A_7 = tpu.memref_squeeze %dma_start3A_6 : memref<1x128xi32, #tpu.memory_space<vmem>> -> memref<128xi32, #tpu.memory_space<vmem>>
    %dma_start3A_8 = arith.constant 0 : i32
    %dma_start3A_9 = arith.constant 0 : i32
    %dma_start3A_10 = tpu.memref_slice %arg2[%dma_start3A_8, %dma_start3A_9] : memref<1007616x128xf32, #tpu.memory_space<hbm>> -> memref<1007616x128xf32, #tpu.memory_space<hbm>>
    tpu.enqueue_indirect_dma source(%dma_start3A_10 : memref<1007616x128xf32, #tpu.memory_space<hbm>>) target(%arg6 : memref<128x128xf32, #tpu.memory_space<vmem>>) offsets(%dma_start3A_7 : memref<128xi32, #tpu.memory_space<vmem>>) semaphore(%arg12 : memref<!tpu.dma_semaphore, #tpu.memory_space<semaphore_mem>>)
    %dma_start3A_11 = arith.constant 1 : i32
    %dma_start3A_12 = arith.constant 0 : i32
    %dma_start3A_13 = tpu.memref_slice %arg5[%dma_start3A_11, %dma_start3A_12] : memref<200x128xi32, #tpu.memory_space<vmem>> -> memref<1x128xi32, #tpu.memory_space<vmem>>
    %dma_start3A_14 = tpu.memref_squeeze %dma_start3A_13 : memref<1x128xi32, #tpu.memory_space<vmem>> -> memref<128xi32, #tpu.memory_space<vmem>>
    %dma_start3A_15 = arith.constant 0 : i32
    %dma_start3A_16 = arith.constant 0 : i32
    %dma_start3A_17 = tpu.memref_slice %arg2[%dma_start3A_15, %dma_start3A_16] : memref<1007616x128xf32, #tpu.memory_space<hbm>> -> memref<1007616x128xf32, #tpu.memory_space<hbm>>
    tpu.enqueue_indirect_dma source(%dma_start3A_17 : memref<1007616x128xf32, #tpu.memory_space<hbm>>) target(%arg7 : memref<128x128xf32, #tpu.memory_space<vmem>>) offsets(%dma_start3A_14 : memref<128xi32, #tpu.memory_space<vmem>>) semaphore(%arg13 : memref<!tpu.dma_semaphore, #tpu.memory_space<semaphore_mem>>)
    %dma_start3A_18 = arith.constant 2 : i32
    %dma_start3A_19 = arith.constant 0 : i32
    %dma_start3A_20 = tpu.memref_slice %arg5[%dma_start3A_18, %dma_start3A_19] : memref<200x128xi32, #tpu.memory_space<vmem>> -> memref<1x128xi32, #tpu.memory_space<vmem>>
    %dma_start3A_21 = tpu.memref_squeeze %dma_start3A_20 : memref<1x128xi32, #tpu.memory_space<vmem>> -> memref<128xi32, #tpu.memory_space<vmem>>
    %dma_start3A_22 = arith.constant 0 : i32
    %dma_start3A_23 = arith.constant 0 : i32
    %dma_start3A_24 = tpu.memref_slice %arg2[%dma_start3A_22, %dma_start3A_23] : memref<1007616x128xf32, #tpu.memory_space<hbm>> -> memref<1007616x128xf32, #tpu.memory_space<hbm>>
    tpu.enqueue_indirect_dma source(%dma_start3A_24 : memref<1007616x128xf32, #tpu.memory_space<hbm>>) target(%arg8 : memref<128x128xf32, #tpu.memory_space<vmem>>) offsets(%dma_start3A_21 : memref<128xi32, #tpu.memory_space<vmem>>) semaphore(%arg14 : memref<!tpu.dma_semaphore, #tpu.memory_space<semaphore_mem>>)
    %dma_start3A_25 = arith.constant 3 : i32
    %dma_start3A_26 = arith.constant 0 : i32
    %dma_start3A_27 = tpu.memref_slice %arg5[%dma_start3A_25, %dma_start3A_26] : memref<200x128xi32, #tpu.memory_space<vmem>> -> memref<1x128xi32, #tpu.memory_space<vmem>>
    %dma_start3A_28 = tpu.memref_squeeze %dma_start3A_27 : memref<1x128xi32, #tpu.memory_space<vmem>> -> memref<128xi32, #tpu.memory_space<vmem>>
    %dma_start3A_29 = arith.constant 0 : i32
    %dma_start3A_30 = arith.constant 0 : i32
    %dma_start3A_31 = tpu.memref_slice %arg2[%dma_start3A_29, %dma_start3A_30] : memref<1007616x128xf32, #tpu.memory_space<hbm>> -> memref<1007616x128xf32, #tpu.memory_space<hbm>>
    tpu.enqueue_indirect_dma source(%dma_start3A_31 : memref<1007616x128xf32, #tpu.memory_space<hbm>>) target(%arg9 : memref<128x128xf32, #tpu.memory_space<vmem>>) offsets(%dma_start3A_28 : memref<128xi32, #tpu.memory_space<vmem>>) semaphore(%arg15 : memref<!tpu.dma_semaphore, #tpu.memory_space<semaphore_mem>>)
    %dma_start3A_32 = arith.constant 4 : i32
    %dma_start3A_33 = arith.constant 0 : i32
    %dma_start3A_34 = tpu.memref_slice %arg5[%dma_start3A_32, %dma_start3A_33] : memref<200x128xi32, #tpu.memory_space<vmem>> -> memref<1x128xi32, #tpu.memory_space<vmem>>
    %dma_start3A_35 = tpu.memref_squeeze %dma_start3A_34 : memref<1x128xi32, #tpu.memory_space<vmem>> -> memref<128xi32, #tpu.memory_space<vmem>>
    %dma_start3A_36 = arith.constant 0 : i32
    %dma_start3A_37 = arith.constant 0 : i32
    %dma_start3A_38 = tpu.memref_slice %arg2[%dma_start3A_36, %dma_start3A_37] : memref<1007616x128xf32, #tpu.memory_space<hbm>> -> memref<1007616x128xf32, #tpu.memory_space<hbm>>
    tpu.enqueue_indirect_dma source(%dma_start3A_38 : memref<1007616x128xf32, #tpu.memory_space<hbm>>) target(%arg10 : memref<128x128xf32, #tpu.memory_space<vmem>>) offsets(%dma_start3A_35 : memref<128xi32, #tpu.memory_space<vmem>>) semaphore(%arg16 : memref<!tpu.dma_semaphore, #tpu.memory_space<semaphore_mem>>)
    %dma_start3A_39 = arith.constant 5 : i32
    %dma_start3A_40 = arith.constant 0 : i32
    %dma_start3A_41 = tpu.memref_slice %arg5[%dma_start3A_39, %dma_start3A_40] : memref<200x128xi32, #tpu.memory_space<vmem>> -> memref<1x128xi32, #tpu.memory_space<vmem>>
    %dma_start3A_42 = tpu.memref_squeeze %dma_start3A_41 : memref<1x128xi32, #tpu.memory_space<vmem>> -> memref<128xi32, #tpu.memory_space<vmem>>
    %dma_start3A_43 = arith.constant 0 : i32
    %dma_start3A_44 = arith.constant 0 : i32
    %dma_start3A_45 = tpu.memref_slice %arg2[%dma_start3A_43, %dma_start3A_44] : memref<1007616x128xf32, #tpu.memory_space<hbm>> -> memref<1007616x128xf32, #tpu.memory_space<hbm>>
    tpu.enqueue_indirect_dma source(%dma_start3A_45 : memref<1007616x128xf32, #tpu.memory_space<hbm>>) target(%arg11 : memref<128x128xf32, #tpu.memory_space<vmem>>) offsets(%dma_start3A_42 : memref<128xi32, #tpu.memory_space<vmem>>) semaphore(%arg17 : memref<!tpu.dma_semaphore, #tpu.memory_space<semaphore_mem>>)
    %scan3A = arith.constant 0 : i32
    %scan3A_46 = arith.constant 0 : i32
    %scan3A_47 = arith.constant 34 : i32
    %scan3A_48 = arith.addi %scan3A_46, %scan3A_47 : i32
    %scan3A_49 = arith.constant 1 : i32
    scf.for %scan3A_74 = %scan3A_46 to %scan3A_48 step %scan3A_49  : i32 {
      %mul3A_75 = arith.constant 6 : i32
      %mul3A_76 = arith.muli %scan3A_74, %mul3A_75 : i32
      %add3A_77 = arith.constant 0 : i32
      %add3A_78 = arith.addi %mul3A_76, %add3A_77 : i32
      %lt3A = arith.constant 200 : i32
      %lt3A_79 = arith.cmpi slt, %add3A_78, %lt3A : i32
      %convert_element_type3A = arith.extui %lt3A_79 : i1 to i32
      %cond3A = arith.constant 0 : i32
      %cond3A_80 = arith.cmpi ne, %convert_element_type3A, %cond3A : i32
      scf.if %cond3A_80 {
        %dma_wait3A_126 = arith.constant 0 : i32
        %dma_wait3A_127 = tpu.memref_slice %arg5[%add3A_78, %dma_wait3A_126] : memref<200x128xi32, #tpu.memory_space<vmem>> -> memref<1x128xi32, #tpu.memory_space<vmem>>
        %dma_wait3A_128 = tpu.memref_squeeze %dma_wait3A_127 : memref<1x128xi32, #tpu.memory_space<vmem>> -> memref<128xi32, #tpu.memory_space<vmem>>
        %dma_wait3A_129 = arith.constant 0 : i32
        %dma_wait3A_130 = arith.constant 0 : i32
        %dma_wait3A_131 = tpu.memref_slice %arg2[%dma_wait3A_129, %dma_wait3A_130] : memref<1007616x128xf32, #tpu.memory_space<hbm>> -> memref<1007616x128xf32, #tpu.memory_space<hbm>>
        tpu.wait_indirect_dma semaphore(%arg12 : memref<!tpu.dma_semaphore, #tpu.memory_space<semaphore_mem>>) src(%dma_wait3A_131 : memref<1007616x128xf32, #tpu.memory_space<hbm>>) dst(%arg6 : memref<128x128xf32, #tpu.memory_space<vmem>>)
        %mul3A_132 = arith.constant 128 : i32
        %mul3A_133 = arith.muli %add3A_78, %mul3A_132 : i32
        %add3A_134 = arith.addi %mul3A_4, %mul3A_133 : i32
        %dma_start3A_135 = arith.constant 0 : i32
        %dma_start3A_136 = tpu.memref_slice %arg4[%add3A_134, %dma_start3A_135] : memref<819200x128xf32, #tpu.memory_space<hbm>> -> memref<128x128xf32, #tpu.memory_space<hbm>>
        %dma_start3A_137 = arith.constant 0 : i32
        %dma_start3A_138 = tpu.memref_slice %arg4[%add3A_134, %dma_start3A_137] : memref<819200x128xf32, #tpu.memory_space<hbm>> -> memref<128x128xf32, #tpu.memory_space<hbm>>
        tpu.enqueue_dma source(%arg6 : memref<128x128xf32, #tpu.memory_space<vmem>>) target(%dma_start3A_138 : memref<128x128xf32, #tpu.memory_space<hbm>>) target_semaphore(%arg18 : memref<!tpu.dma_semaphore, #tpu.memory_space<semaphore_mem>>)
        %add3A_139 = arith.constant 6 : i32
        %add3A_140 = arith.addi %add3A_78, %add3A_139 : i32
        %lt3A_141 = arith.constant 200 : i32
        %lt3A_142 = arith.cmpi slt, %add3A_140, %lt3A_141 : i32
        %convert_element_type3A_143 = arith.extui %lt3A_142 : i1 to i32
        %cond3A_144 = arith.constant 0 : i32
        %cond3A_145 = arith.cmpi ne, %convert_element_type3A_143, %cond3A_144 : i32
        scf.if %cond3A_145 {
          %dma_wait3A_146 = arith.constant 0 : i32
          %dma_wait3A_147 = tpu.memref_slice %arg4[%mul3A_4, %dma_wait3A_146] : memref<819200x128xf32, #tpu.memory_space<hbm>> -> memref<128x128xf32, #tpu.memory_space<hbm>>
          %dma_wait3A_148 = arith.constant 0 : i32
          %dma_wait3A_149 = tpu.memref_slice %arg4[%mul3A_4, %dma_wait3A_148] : memref<819200x128xf32, #tpu.memory_space<hbm>> -> memref<128x128xf32, #tpu.memory_space<hbm>>
          tpu.wait_dma2 semaphore(%arg18 : memref<!tpu.dma_semaphore, #tpu.memory_space<semaphore_mem>>) src(%arg6 : memref<128x128xf32, #tpu.memory_space<vmem>>) dst(%dma_wait3A_149 : memref<128x128xf32, #tpu.memory_space<hbm>>)
          %add3A_150 = arith.constant 6 : i32
          %add3A_151 = arith.addi %add3A_78, %add3A_150 : i32
          %dma_start3A_152 = arith.constant 0 : i32
          %dma_start3A_153 = tpu.memref_slice %arg5[%add3A_151, %dma_start3A_152] : memref<200x128xi32, #tpu.memory_space<vmem>> -> memref<1x128xi32, #tpu.memory_space<vmem>>
          %dma_start3A_154 = tpu.memref_squeeze %dma_start3A_153 : memref<1x128xi32, #tpu.memory_space<vmem>> -> memref<128xi32, #tpu.memory_space<vmem>>
          %dma_start3A_155 = arith.constant 0 : i32
          %dma_start3A_156 = arith.constant 0 : i32
          %dma_start3A_157 = tpu.memref_slice %arg2[%dma_start3A_155, %dma_start3A_156] : memref<1007616x128xf32, #tpu.memory_space<hbm>> -> memref<1007616x128xf32, #tpu.memory_space<hbm>>
          tpu.enqueue_indirect_dma source(%dma_start3A_157 : memref<1007616x128xf32, #tpu.memory_space<hbm>>) target(%arg6 : memref<128x128xf32, #tpu.memory_space<vmem>>) offsets(%dma_start3A_154 : memref<128xi32, #tpu.memory_space<vmem>>) semaphore(%arg12 : memref<!tpu.dma_semaphore, #tpu.memory_space<semaphore_mem>>)
        } else {
        }
      } else {
      }
      %mul3A_81 = arith.constant 6 : i32
      %mul3A_82 = arith.muli %scan3A_74, %mul3A_81 : i32
      %add3A_83 = arith.constant 1 : i32
      %add3A_84 = arith.addi %mul3A_82, %add3A_83 : i32
      %lt3A_85 = arith.constant 200 : i32
      %lt3A_86 = arith.cmpi slt, %add3A_84, %lt3A_85 : i32
      %convert_element_type3A_87 = arith.extui %lt3A_86 : i1 to i32
      %cond3A_88 = arith.constant 0 : i32
      %cond3A_89 = arith.cmpi ne, %convert_element_type3A_87, %cond3A_88 : i32
      scf.if %cond3A_89 {
        %dma_wait3A_126 = arith.constant 0 : i32
        %dma_wait3A_127 = tpu.memref_slice %arg5[%add3A_84, %dma_wait3A_126] : memref<200x128xi32, #tpu.memory_space<vmem>> -> memref<1x128xi32, #tpu.memory_space<vmem>>
        %dma_wait3A_128 = tpu.memref_squeeze %dma_wait3A_127 : memref<1x128xi32, #tpu.memory_space<vmem>> -> memref<128xi32, #tpu.memory_space<vmem>>
        %dma_wait3A_129 = arith.constant 0 : i32
        %dma_wait3A_130 = arith.constant 0 : i32
        %dma_wait3A_131 = tpu.memref_slice %arg2[%dma_wait3A_129, %dma_wait3A_130] : memref<1007616x128xf32, #tpu.memory_space<hbm>> -> memref<1007616x128xf32, #tpu.memory_space<hbm>>
        tpu.wait_indirect_dma semaphore(%arg13 : memref<!tpu.dma_semaphore, #tpu.memory_space<semaphore_mem>>) src(%dma_wait3A_131 : memref<1007616x128xf32, #tpu.memory_space<hbm>>) dst(%arg7 : memref<128x128xf32, #tpu.memory_space<vmem>>)
        %mul3A_132 = arith.constant 128 : i32
        %mul3A_133 = arith.muli %add3A_84, %mul3A_132 : i32
        %add3A_134 = arith.addi %mul3A_4, %mul3A_133 : i32
        %dma_start3A_135 = arith.constant 0 : i32
        %dma_start3A_136 = tpu.memref_slice %arg4[%add3A_134, %dma_start3A_135] : memref<819200x128xf32, #tpu.memory_space<hbm>> -> memref<128x128xf32, #tpu.memory_space<hbm>>
        %dma_start3A_137 = arith.constant 0 : i32
        %dma_start3A_138 = tpu.memref_slice %arg4[%add3A_134, %dma_start3A_137] : memref<819200x128xf32, #tpu.memory_space<hbm>> -> memref<128x128xf32, #tpu.memory_space<hbm>>
        tpu.enqueue_dma source(%arg7 : memref<128x128xf32, #tpu.memory_space<vmem>>) target(%dma_start3A_138 : memref<128x128xf32, #tpu.memory_space<hbm>>) target_semaphore(%arg19 : memref<!tpu.dma_semaphore, #tpu.memory_space<semaphore_mem>>)
        %add3A_139 = arith.constant 6 : i32
        %add3A_140 = arith.addi %add3A_84, %add3A_139 : i32
        %lt3A_141 = arith.constant 200 : i32
        %lt3A_142 = arith.cmpi slt, %add3A_140, %lt3A_141 : i32
        %convert_element_type3A_143 = arith.extui %lt3A_142 : i1 to i32
        %cond3A_144 = arith.constant 0 : i32
        %cond3A_145 = arith.cmpi ne, %convert_element_type3A_143, %cond3A_144 : i32
        scf.if %cond3A_145 {
          %dma_wait3A_146 = arith.constant 0 : i32
          %dma_wait3A_147 = tpu.memref_slice %arg4[%mul3A_4, %dma_wait3A_146] : memref<819200x128xf32, #tpu.memory_space<hbm>> -> memref<128x128xf32, #tpu.memory_space<hbm>>
          %dma_wait3A_148 = arith.constant 0 : i32
          %dma_wait3A_149 = tpu.memref_slice %arg4[%mul3A_4, %dma_wait3A_148] : memref<819200x128xf32, #tpu.memory_space<hbm>> -> memref<128x128xf32, #tpu.memory_space<hbm>>
          tpu.wait_dma2 semaphore(%arg19 : memref<!tpu.dma_semaphore, #tpu.memory_space<semaphore_mem>>) src(%arg7 : memref<128x128xf32, #tpu.memory_space<vmem>>) dst(%dma_wait3A_149 : memref<128x128xf32, #tpu.memory_space<hbm>>)
          %add3A_150 = arith.constant 6 : i32
          %add3A_151 = arith.addi %add3A_84, %add3A_150 : i32
          %dma_start3A_152 = arith.constant 0 : i32
          %dma_start3A_153 = tpu.memref_slice %arg5[%add3A_151, %dma_start3A_152] : memref<200x128xi32, #tpu.memory_space<vmem>> -> memref<1x128xi32, #tpu.memory_space<vmem>>
          %dma_start3A_154 = tpu.memref_squeeze %dma_start3A_153 : memref<1x128xi32, #tpu.memory_space<vmem>> -> memref<128xi32, #tpu.memory_space<vmem>>
          %dma_start3A_155 = arith.constant 0 : i32
          %dma_start3A_156 = arith.constant 0 : i32
          %dma_start3A_157 = tpu.memref_slice %arg2[%dma_start3A_155, %dma_start3A_156] : memref<1007616x128xf32, #tpu.memory_space<hbm>> -> memref<1007616x128xf32, #tpu.memory_space<hbm>>
          tpu.enqueue_indirect_dma source(%dma_start3A_157 : memref<1007616x128xf32, #tpu.memory_space<hbm>>) target(%arg7 : memref<128x128xf32, #tpu.memory_space<vmem>>) offsets(%dma_start3A_154 : memref<128xi32, #tpu.memory_space<vmem>>) semaphore(%arg13 : memref<!tpu.dma_semaphore, #tpu.memory_space<semaphore_mem>>)
        } else {
        }
      } else {
      }
      %mul3A_90 = arith.constant 6 : i32
      %mul3A_91 = arith.muli %scan3A_74, %mul3A_90 : i32
      %add3A_92 = arith.constant 2 : i32
      %add3A_93 = arith.addi %mul3A_91, %add3A_92 : i32
      %lt3A_94 = arith.constant 200 : i32
      %lt3A_95 = arith.cmpi slt, %add3A_93, %lt3A_94 : i32
      %convert_element_type3A_96 = arith.extui %lt3A_95 : i1 to i32
      %cond3A_97 = arith.constant 0 : i32
      %cond3A_98 = arith.cmpi ne, %convert_element_type3A_96, %cond3A_97 : i32
      scf.if %cond3A_98 {
        %dma_wait3A_126 = arith.constant 0 : i32
        %dma_wait3A_127 = tpu.memref_slice %arg5[%add3A_93, %dma_wait3A_126] : memref<200x128xi32, #tpu.memory_space<vmem>> -> memref<1x128xi32, #tpu.memory_space<vmem>>
        %dma_wait3A_128 = tpu.memref_squeeze %dma_wait3A_127 : memref<1x128xi32, #tpu.memory_space<vmem>> -> memref<128xi32, #tpu.memory_space<vmem>>
        %dma_wait3A_129 = arith.constant 0 : i32
        %dma_wait3A_130 = arith.constant 0 : i32
        %dma_wait3A_131 = tpu.memref_slice %arg2[%dma_wait3A_129, %dma_wait3A_130] : memref<1007616x128xf32, #tpu.memory_space<hbm>> -> memref<1007616x128xf32, #tpu.memory_space<hbm>>
        tpu.wait_indirect_dma semaphore(%arg14 : memref<!tpu.dma_semaphore, #tpu.memory_space<semaphore_mem>>) src(%dma_wait3A_131 : memref<1007616x128xf32, #tpu.memory_space<hbm>>) dst(%arg8 : memref<128x128xf32, #tpu.memory_space<vmem>>)
        %mul3A_132 = arith.constant 128 : i32
        %mul3A_133 = arith.muli %add3A_93, %mul3A_132 : i32
        %add3A_134 = arith.addi %mul3A_4, %mul3A_133 : i32
        %dma_start3A_135 = arith.constant 0 : i32
        %dma_start3A_136 = tpu.memref_slice %arg4[%add3A_134, %dma_start3A_135] : memref<819200x128xf32, #tpu.memory_space<hbm>> -> memref<128x128xf32, #tpu.memory_space<hbm>>
        %dma_start3A_137 = arith.constant 0 : i32
        %dma_start3A_138 = tpu.memref_slice %arg4[%add3A_134, %dma_start3A_137] : memref<819200x128xf32, #tpu.memory_space<hbm>> -> memref<128x128xf32, #tpu.memory_space<hbm>>
        tpu.enqueue_dma source(%arg8 : memref<128x128xf32, #tpu.memory_space<vmem>>) target(%dma_start3A_138 : memref<128x128xf32, #tpu.memory_space<hbm>>) target_semaphore(%arg20 : memref<!tpu.dma_semaphore, #tpu.memory_space<semaphore_mem>>)
        %add3A_139 = arith.constant 6 : i32
        %add3A_140 = arith.addi %add3A_93, %add3A_139 : i32
        %lt3A_141 = arith.constant 200 : i32
        %lt3A_142 = arith.cmpi slt, %add3A_140, %lt3A_141 : i32
        %convert_element_type3A_143 = arith.extui %lt3A_142 : i1 to i32
        %cond3A_144 = arith.constant 0 : i32
        %cond3A_145 = arith.cmpi ne, %convert_element_type3A_143, %cond3A_144 : i32
        scf.if %cond3A_145 {
          %dma_wait3A_146 = arith.constant 0 : i32
          %dma_wait3A_147 = tpu.memref_slice %arg4[%mul3A_4, %dma_wait3A_146] : memref<819200x128xf32, #tpu.memory_space<hbm>> -> memref<128x128xf32, #tpu.memory_space<hbm>>
          %dma_wait3A_148 = arith.constant 0 : i32
          %dma_wait3A_149 = tpu.memref_slice %arg4[%mul3A_4, %dma_wait3A_148] : memref<819200x128xf32, #tpu.memory_space<hbm>> -> memref<128x128xf32, #tpu.memory_space<hbm>>
          tpu.wait_dma2 semaphore(%arg20 : memref<!tpu.dma_semaphore, #tpu.memory_space<semaphore_mem>>) src(%arg8 : memref<128x128xf32, #tpu.memory_space<vmem>>) dst(%dma_wait3A_149 : memref<128x128xf32, #tpu.memory_space<hbm>>)
          %add3A_150 = arith.constant 6 : i32
          %add3A_151 = arith.addi %add3A_93, %add3A_150 : i32
          %dma_start3A_152 = arith.constant 0 : i32
          %dma_start3A_153 = tpu.memref_slice %arg5[%add3A_151, %dma_start3A_152] : memref<200x128xi32, #tpu.memory_space<vmem>> -> memref<1x128xi32, #tpu.memory_space<vmem>>
          %dma_start3A_154 = tpu.memref_squeeze %dma_start3A_153 : memref<1x128xi32, #tpu.memory_space<vmem>> -> memref<128xi32, #tpu.memory_space<vmem>>
          %dma_start3A_155 = arith.constant 0 : i32
          %dma_start3A_156 = arith.constant 0 : i32
          %dma_start3A_157 = tpu.memref_slice %arg2[%dma_start3A_155, %dma_start3A_156] : memref<1007616x128xf32, #tpu.memory_space<hbm>> -> memref<1007616x128xf32, #tpu.memory_space<hbm>>
          tpu.enqueue_indirect_dma source(%dma_start3A_157 : memref<1007616x128xf32, #tpu.memory_space<hbm>>) target(%arg8 : memref<128x128xf32, #tpu.memory_space<vmem>>) offsets(%dma_start3A_154 : memref<128xi32, #tpu.memory_space<vmem>>) semaphore(%arg14 : memref<!tpu.dma_semaphore, #tpu.memory_space<semaphore_mem>>)
        } else {
        }
      } else {
      }
      %mul3A_99 = arith.constant 6 : i32
      %mul3A_100 = arith.muli %scan3A_74, %mul3A_99 : i32
      %add3A_101 = arith.constant 3 : i32
      %add3A_102 = arith.addi %mul3A_100, %add3A_101 : i32
      %lt3A_103 = arith.constant 200 : i32
      %lt3A_104 = arith.cmpi slt, %add3A_102, %lt3A_103 : i32
      %convert_element_type3A_105 = arith.extui %lt3A_104 : i1 to i32
      %cond3A_106 = arith.constant 0 : i32
      %cond3A_107 = arith.cmpi ne, %convert_element_type3A_105, %cond3A_106 : i32
      scf.if %cond3A_107 {
        %dma_wait3A_126 = arith.constant 0 : i32
        %dma_wait3A_127 = tpu.memref_slice %arg5[%add3A_102, %dma_wait3A_126] : memref<200x128xi32, #tpu.memory_space<vmem>> -> memref<1x128xi32, #tpu.memory_space<vmem>>
        %dma_wait3A_128 = tpu.memref_squeeze %dma_wait3A_127 : memref<1x128xi32, #tpu.memory_space<vmem>> -> memref<128xi32, #tpu.memory_space<vmem>>
        %dma_wait3A_129 = arith.constant 0 : i32
        %dma_wait3A_130 = arith.constant 0 : i32
        %dma_wait3A_131 = tpu.memref_slice %arg2[%dma_wait3A_129, %dma_wait3A_130] : memref<1007616x128xf32, #tpu.memory_space<hbm>> -> memref<1007616x128xf32, #tpu.memory_space<hbm>>
        tpu.wait_indirect_dma semaphore(%arg15 : memref<!tpu.dma_semaphore, #tpu.memory_space<semaphore_mem>>) src(%dma_wait3A_131 : memref<1007616x128xf32, #tpu.memory_space<hbm>>) dst(%arg9 : memref<128x128xf32, #tpu.memory_space<vmem>>)
        %mul3A_132 = arith.constant 128 : i32
        %mul3A_133 = arith.muli %add3A_102, %mul3A_132 : i32
        %add3A_134 = arith.addi %mul3A_4, %mul3A_133 : i32
        %dma_start3A_135 = arith.constant 0 : i32
        %dma_start3A_136 = tpu.memref_slice %arg4[%add3A_134, %dma_start3A_135] : memref<819200x128xf32, #tpu.memory_space<hbm>> -> memref<128x128xf32, #tpu.memory_space<hbm>>
        %dma_start3A_137 = arith.constant 0 : i32
        %dma_start3A_138 = tpu.memref_slice %arg4[%add3A_134, %dma_start3A_137] : memref<819200x128xf32, #tpu.memory_space<hbm>> -> memref<128x128xf32, #tpu.memory_space<hbm>>
        tpu.enqueue_dma source(%arg9 : memref<128x128xf32, #tpu.memory_space<vmem>>) target(%dma_start3A_138 : memref<128x128xf32, #tpu.memory_space<hbm>>) target_semaphore(%arg21 : memref<!tpu.dma_semaphore, #tpu.memory_space<semaphore_mem>>)
        %add3A_139 = arith.constant 6 : i32
        %add3A_140 = arith.addi %add3A_102, %add3A_139 : i32
        %lt3A_141 = arith.constant 200 : i32
        %lt3A_142 = arith.cmpi slt, %add3A_140, %lt3A_141 : i32
        %convert_element_type3A_143 = arith.extui %lt3A_142 : i1 to i32
        %cond3A_144 = arith.constant 0 : i32
        %cond3A_145 = arith.cmpi ne, %convert_element_type3A_143, %cond3A_144 : i32
        scf.if %cond3A_145 {
          %dma_wait3A_146 = arith.constant 0 : i32
          %dma_wait3A_147 = tpu.memref_slice %arg4[%mul3A_4, %dma_wait3A_146] : memref<819200x128xf32, #tpu.memory_space<hbm>> -> memref<128x128xf32, #tpu.memory_space<hbm>>
          %dma_wait3A_148 = arith.constant 0 : i32
          %dma_wait3A_149 = tpu.memref_slice %arg4[%mul3A_4, %dma_wait3A_148] : memref<819200x128xf32, #tpu.memory_space<hbm>> -> memref<128x128xf32, #tpu.memory_space<hbm>>
          tpu.wait_dma2 semaphore(%arg21 : memref<!tpu.dma_semaphore, #tpu.memory_space<semaphore_mem>>) src(%arg9 : memref<128x128xf32, #tpu.memory_space<vmem>>) dst(%dma_wait3A_149 : memref<128x128xf32, #tpu.memory_space<hbm>>)
          %add3A_150 = arith.constant 6 : i32
          %add3A_151 = arith.addi %add3A_102, %add3A_150 : i32
          %dma_start3A_152 = arith.constant 0 : i32
          %dma_start3A_153 = tpu.memref_slice %arg5[%add3A_151, %dma_start3A_152] : memref<200x128xi32, #tpu.memory_space<vmem>> -> memref<1x128xi32, #tpu.memory_space<vmem>>
          %dma_start3A_154 = tpu.memref_squeeze %dma_start3A_153 : memref<1x128xi32, #tpu.memory_space<vmem>> -> memref<128xi32, #tpu.memory_space<vmem>>
          %dma_start3A_155 = arith.constant 0 : i32
          %dma_start3A_156 = arith.constant 0 : i32
          %dma_start3A_157 = tpu.memref_slice %arg2[%dma_start3A_155, %dma_start3A_156] : memref<1007616x128xf32, #tpu.memory_space<hbm>> -> memref<1007616x128xf32, #tpu.memory_space<hbm>>
          tpu.enqueue_indirect_dma source(%dma_start3A_157 : memref<1007616x128xf32, #tpu.memory_space<hbm>>) target(%arg9 : memref<128x128xf32, #tpu.memory_space<vmem>>) offsets(%dma_start3A_154 : memref<128xi32, #tpu.memory_space<vmem>>) semaphore(%arg15 : memref<!tpu.dma_semaphore, #tpu.memory_space<semaphore_mem>>)
        } else {
        }
      } else {
      }
      %mul3A_108 = arith.constant 6 : i32
      %mul3A_109 = arith.muli %scan3A_74, %mul3A_108 : i32
      %add3A_110 = arith.constant 4 : i32
      %add3A_111 = arith.addi %mul3A_109, %add3A_110 : i32
      %lt3A_112 = arith.constant 200 : i32
      %lt3A_113 = arith.cmpi slt, %add3A_111, %lt3A_112 : i32
      %convert_element_type3A_114 = arith.extui %lt3A_113 : i1 to i32
      %cond3A_115 = arith.constant 0 : i32
      %cond3A_116 = arith.cmpi ne, %convert_element_type3A_114, %cond3A_115 : i32
      scf.if %cond3A_116 {
        %dma_wait3A_126 = arith.constant 0 : i32
        %dma_wait3A_127 = tpu.memref_slice %arg5[%add3A_111, %dma_wait3A_126] : memref<200x128xi32, #tpu.memory_space<vmem>> -> memref<1x128xi32, #tpu.memory_space<vmem>>
        %dma_wait3A_128 = tpu.memref_squeeze %dma_wait3A_127 : memref<1x128xi32, #tpu.memory_space<vmem>> -> memref<128xi32, #tpu.memory_space<vmem>>
        %dma_wait3A_129 = arith.constant 0 : i32
        %dma_wait3A_130 = arith.constant 0 : i32
        %dma_wait3A_131 = tpu.memref_slice %arg2[%dma_wait3A_129, %dma_wait3A_130] : memref<1007616x128xf32, #tpu.memory_space<hbm>> -> memref<1007616x128xf32, #tpu.memory_space<hbm>>
        tpu.wait_indirect_dma semaphore(%arg16 : memref<!tpu.dma_semaphore, #tpu.memory_space<semaphore_mem>>) src(%dma_wait3A_131 : memref<1007616x128xf32, #tpu.memory_space<hbm>>) dst(%arg10 : memref<128x128xf32, #tpu.memory_space<vmem>>)
        %mul3A_132 = arith.constant 128 : i32
        %mul3A_133 = arith.muli %add3A_111, %mul3A_132 : i32
        %add3A_134 = arith.addi %mul3A_4, %mul3A_133 : i32
        %dma_start3A_135 = arith.constant 0 : i32
        %dma_start3A_136 = tpu.memref_slice %arg4[%add3A_134, %dma_start3A_135] : memref<819200x128xf32, #tpu.memory_space<hbm>> -> memref<128x128xf32, #tpu.memory_space<hbm>>
        %dma_start3A_137 = arith.constant 0 : i32
        %dma_start3A_138 = tpu.memref_slice %arg4[%add3A_134, %dma_start3A_137] : memref<819200x128xf32, #tpu.memory_space<hbm>> -> memref<128x128xf32, #tpu.memory_space<hbm>>
        tpu.enqueue_dma source(%arg10 : memref<128x128xf32, #tpu.memory_space<vmem>>) target(%dma_start3A_138 : memref<128x128xf32, #tpu.memory_space<hbm>>) target_semaphore(%arg22 : memref<!tpu.dma_semaphore, #tpu.memory_space<semaphore_mem>>)
        %add3A_139 = arith.constant 6 : i32
        %add3A_140 = arith.addi %add3A_111, %add3A_139 : i32
        %lt3A_141 = arith.constant 200 : i32
        %lt3A_142 = arith.cmpi slt, %add3A_140, %lt3A_141 : i32
        %convert_element_type3A_143 = arith.extui %lt3A_142 : i1 to i32
        %cond3A_144 = arith.constant 0 : i32
        %cond3A_145 = arith.cmpi ne, %convert_element_type3A_143, %cond3A_144 : i32
        scf.if %cond3A_145 {
          %dma_wait3A_146 = arith.constant 0 : i32
          %dma_wait3A_147 = tpu.memref_slice %arg4[%mul3A_4, %dma_wait3A_146] : memref<819200x128xf32, #tpu.memory_space<hbm>> -> memref<128x128xf32, #tpu.memory_space<hbm>>
          %dma_wait3A_148 = arith.constant 0 : i32
          %dma_wait3A_149 = tpu.memref_slice %arg4[%mul3A_4, %dma_wait3A_148] : memref<819200x128xf32, #tpu.memory_space<hbm>> -> memref<128x128xf32, #tpu.memory_space<hbm>>
          tpu.wait_dma2 semaphore(%arg22 : memref<!tpu.dma_semaphore, #tpu.memory_space<semaphore_mem>>) src(%arg10 : memref<128x128xf32, #tpu.memory_space<vmem>>) dst(%dma_wait3A_149 : memref<128x128xf32, #tpu.memory_space<hbm>>)
          %add3A_150 = arith.constant 6 : i32
          %add3A_151 = arith.addi %add3A_111, %add3A_150 : i32
          %dma_start3A_152 = arith.constant 0 : i32
          %dma_start3A_153 = tpu.memref_slice %arg5[%add3A_151, %dma_start3A_152] : memref<200x128xi32, #tpu.memory_space<vmem>> -> memref<1x128xi32, #tpu.memory_space<vmem>>
          %dma_start3A_154 = tpu.memref_squeeze %dma_start3A_153 : memref<1x128xi32, #tpu.memory_space<vmem>> -> memref<128xi32, #tpu.memory_space<vmem>>
          %dma_start3A_155 = arith.constant 0 : i32
          %dma_start3A_156 = arith.constant 0 : i32
          %dma_start3A_157 = tpu.memref_slice %arg2[%dma_start3A_155, %dma_start3A_156] : memref<1007616x128xf32, #tpu.memory_space<hbm>> -> memref<1007616x128xf32, #tpu.memory_space<hbm>>
          tpu.enqueue_indirect_dma source(%dma_start3A_157 : memref<1007616x128xf32, #tpu.memory_space<hbm>>) target(%arg10 : memref<128x128xf32, #tpu.memory_space<vmem>>) offsets(%dma_start3A_154 : memref<128xi32, #tpu.memory_space<vmem>>) semaphore(%arg16 : memref<!tpu.dma_semaphore, #tpu.memory_space<semaphore_mem>>)
        } else {
        }
      } else {
      }
      %mul3A_117 = arith.constant 6 : i32
      %mul3A_118 = arith.muli %scan3A_74, %mul3A_117 : i32
      %add3A_119 = arith.constant 5 : i32
      %add3A_120 = arith.addi %mul3A_118, %add3A_119 : i32
      %lt3A_121 = arith.constant 200 : i32
      %lt3A_122 = arith.cmpi slt, %add3A_120, %lt3A_121 : i32
      %convert_element_type3A_123 = arith.extui %lt3A_122 : i1 to i32
      %cond3A_124 = arith.constant 0 : i32
      %cond3A_125 = arith.cmpi ne, %convert_element_type3A_123, %cond3A_124 : i32
      scf.if %cond3A_125 {
        %dma_wait3A_126 = arith.constant 0 : i32
        %dma_wait3A_127 = tpu.memref_slice %arg5[%add3A_120, %dma_wait3A_126] : memref<200x128xi32, #tpu.memory_space<vmem>> -> memref<1x128xi32, #tpu.memory_space<vmem>>
        %dma_wait3A_128 = tpu.memref_squeeze %dma_wait3A_127 : memref<1x128xi32, #tpu.memory_space<vmem>> -> memref<128xi32, #tpu.memory_space<vmem>>
        %dma_wait3A_129 = arith.constant 0 : i32
        %dma_wait3A_130 = arith.constant 0 : i32
        %dma_wait3A_131 = tpu.memref_slice %arg2[%dma_wait3A_129, %dma_wait3A_130] : memref<1007616x128xf32, #tpu.memory_space<hbm>> -> memref<1007616x128xf32, #tpu.memory_space<hbm>>
        tpu.wait_indirect_dma semaphore(%arg17 : memref<!tpu.dma_semaphore, #tpu.memory_space<semaphore_mem>>) src(%dma_wait3A_131 : memref<1007616x128xf32, #tpu.memory_space<hbm>>) dst(%arg11 : memref<128x128xf32, #tpu.memory_space<vmem>>)
        %mul3A_132 = arith.constant 128 : i32
        %mul3A_133 = arith.muli %add3A_120, %mul3A_132 : i32
        %add3A_134 = arith.addi %mul3A_4, %mul3A_133 : i32
        %dma_start3A_135 = arith.constant 0 : i32
        %dma_start3A_136 = tpu.memref_slice %arg4[%add3A_134, %dma_start3A_135] : memref<819200x128xf32, #tpu.memory_space<hbm>> -> memref<128x128xf32, #tpu.memory_space<hbm>>
        %dma_start3A_137 = arith.constant 0 : i32
        %dma_start3A_138 = tpu.memref_slice %arg4[%add3A_134, %dma_start3A_137] : memref<819200x128xf32, #tpu.memory_space<hbm>> -> memref<128x128xf32, #tpu.memory_space<hbm>>
        tpu.enqueue_dma source(%arg11 : memref<128x128xf32, #tpu.memory_space<vmem>>) target(%dma_start3A_138 : memref<128x128xf32, #tpu.memory_space<hbm>>) target_semaphore(%arg23 : memref<!tpu.dma_semaphore, #tpu.memory_space<semaphore_mem>>)
        %add3A_139 = arith.constant 6 : i32
        %add3A_140 = arith.addi %add3A_120, %add3A_139 : i32
        %lt3A_141 = arith.constant 200 : i32
        %lt3A_142 = arith.cmpi slt, %add3A_140, %lt3A_141 : i32
        %convert_element_type3A_143 = arith.extui %lt3A_142 : i1 to i32
        %cond3A_144 = arith.constant 0 : i32
        %cond3A_145 = arith.cmpi ne, %convert_element_type3A_143, %cond3A_144 : i32
        scf.if %cond3A_145 {
          %dma_wait3A_146 = arith.constant 0 : i32
          %dma_wait3A_147 = tpu.memref_slice %arg4[%mul3A_4, %dma_wait3A_146] : memref<819200x128xf32, #tpu.memory_space<hbm>> -> memref<128x128xf32, #tpu.memory_space<hbm>>
          %dma_wait3A_148 = arith.constant 0 : i32
          %dma_wait3A_149 = tpu.memref_slice %arg4[%mul3A_4, %dma_wait3A_148] : memref<819200x128xf32, #tpu.memory_space<hbm>> -> memref<128x128xf32, #tpu.memory_space<hbm>>
          tpu.wait_dma2 semaphore(%arg23 : memref<!tpu.dma_semaphore, #tpu.memory_space<semaphore_mem>>) src(%arg11 : memref<128x128xf32, #tpu.memory_space<vmem>>) dst(%dma_wait3A_149 : memref<128x128xf32, #tpu.memory_space<hbm>>)
          %add3A_150 = arith.constant 6 : i32
          %add3A_151 = arith.addi %add3A_120, %add3A_150 : i32
          %dma_start3A_152 = arith.constant 0 : i32
          %dma_start3A_153 = tpu.memref_slice %arg5[%add3A_151, %dma_start3A_152] : memref<200x128xi32, #tpu.memory_space<vmem>> -> memref<1x128xi32, #tpu.memory_space<vmem>>
          %dma_start3A_154 = tpu.memref_squeeze %dma_start3A_153 : memref<1x128xi32, #tpu.memory_space<vmem>> -> memref<128xi32, #tpu.memory_space<vmem>>
          %dma_start3A_155 = arith.constant 0 : i32
          %dma_start3A_156 = arith.constant 0 : i32
          %dma_start3A_157 = tpu.memref_slice %arg2[%dma_start3A_155, %dma_start3A_156] : memref<1007616x128xf32, #tpu.memory_space<hbm>> -> memref<1007616x128xf32, #tpu.memory_space<hbm>>
          tpu.enqueue_indirect_dma source(%dma_start3A_157 : memref<1007616x128xf32, #tpu.memory_space<hbm>>) target(%arg11 : memref<128x128xf32, #tpu.memory_space<vmem>>) offsets(%dma_start3A_154 : memref<128xi32, #tpu.memory_space<vmem>>) semaphore(%arg17 : memref<!tpu.dma_semaphore, #tpu.memory_space<semaphore_mem>>)
        } else {
        }
      } else {
      }
    }
    %scan3A_50 = arith.constant 34 : i32
    %dma_wait3A = arith.constant 0 : i32
    %dma_wait3A_51 = tpu.memref_slice %arg4[%mul3A_4, %dma_wait3A] : memref<819200x128xf32, #tpu.memory_space<hbm>> -> memref<128x128xf32, #tpu.memory_space<hbm>>
    %dma_wait3A_52 = arith.constant 0 : i32
    %dma_wait3A_53 = tpu.memref_slice %arg4[%mul3A_4, %dma_wait3A_52] : memref<819200x128xf32, #tpu.memory_space<hbm>> -> memref<128x128xf32, #tpu.memory_space<hbm>>
    tpu.wait_dma2 semaphore(%arg18 : memref<!tpu.dma_semaphore, #tpu.memory_space<semaphore_mem>>) src(%arg6 : memref<128x128xf32, #tpu.memory_space<vmem>>) dst(%dma_wait3A_53 : memref<128x128xf32, #tpu.memory_space<hbm>>)
    %dma_wait3A_54 = arith.constant 0 : i32
    %dma_wait3A_55 = tpu.memref_slice %arg4[%mul3A_4, %dma_wait3A_54] : memref<819200x128xf32, #tpu.memory_space<hbm>> -> memref<128x128xf32, #tpu.memory_space<hbm>>
    %dma_wait3A_56 = arith.constant 0 : i32
    %dma_wait3A_57 = tpu.memref_slice %arg4[%mul3A_4, %dma_wait3A_56] : memref<819200x128xf32, #tpu.memory_space<hbm>> -> memref<128x128xf32, #tpu.memory_space<hbm>>
    tpu.wait_dma2 semaphore(%arg19 : memref<!tpu.dma_semaphore, #tpu.memory_space<semaphore_mem>>) src(%arg7 : memref<128x128xf32, #tpu.memory_space<vmem>>) dst(%dma_wait3A_57 : memref<128x128xf32, #tpu.memory_space<hbm>>)
    %dma_wait3A_58 = arith.constant 0 : i32
    %dma_wait3A_59 = tpu.memref_slice %arg4[%mul3A_4, %dma_wait3A_58] : memref<819200x128xf32, #tpu.memory_space<hbm>> -> memref<128x128xf32, #tpu.memory_space<hbm>>
    %dma_wait3A_60 = arith.constant 0 : i32
    %dma_wait3A_61 = tpu.memref_slice %arg4[%mul3A_4, %dma_wait3A_60] : memref<819200x128xf32, #tpu.memory_space<hbm>> -> memref<128x128xf32, #tpu.memory_space<hbm>>
    tpu.wait_dma2 semaphore(%arg20 : memref<!tpu.dma_semaphore, #tpu.memory_space<semaphore_mem>>) src(%arg8 : memref<128x128xf32, #tpu.memory_space<vmem>>) dst(%dma_wait3A_61 : memref<128x128xf32, #tpu.memory_space<hbm>>)
    %dma_wait3A_62 = arith.constant 0 : i32
    %dma_wait3A_63 = tpu.memref_slice %arg4[%mul3A_4, %dma_wait3A_62] : memref<819200x128xf32, #tpu.memory_space<hbm>> -> memref<128x128xf32, #tpu.memory_space<hbm>>
    %dma_wait3A_64 = arith.constant 0 : i32
    %dma_wait3A_65 = tpu.memref_slice %arg4[%mul3A_4, %dma_wait3A_64] : memref<819200x128xf32, #tpu.memory_space<hbm>> -> memref<128x128xf32, #tpu.memory_space<hbm>>
    tpu.wait_dma2 semaphore(%arg21 : memref<!tpu.dma_semaphore, #tpu.memory_space<semaphore_mem>>) src(%arg9 : memref<128x128xf32, #tpu.memory_space<vmem>>) dst(%dma_wait3A_65 : memref<128x128xf32, #tpu.memory_space<hbm>>)
    %dma_wait3A_66 = arith.constant 0 : i32
    %dma_wait3A_67 = tpu.memref_slice %arg4[%mul3A_4, %dma_wait3A_66] : memref<819200x128xf32, #tpu.memory_space<hbm>> -> memref<128x128xf32, #tpu.memory_space<hbm>>
    %dma_wait3A_68 = arith.constant 0 : i32
    %dma_wait3A_69 = tpu.memref_slice %arg4[%mul3A_4, %dma_wait3A_68] : memref<819200x128xf32, #tpu.memory_space<hbm>> -> memref<128x128xf32, #tpu.memory_space<hbm>>
    tpu.wait_dma2 semaphore(%arg22 : memref<!tpu.dma_semaphore, #tpu.memory_space<semaphore_mem>>) src(%arg10 : memref<128x128xf32, #tpu.memory_space<vmem>>) dst(%dma_wait3A_69 : memref<128x128xf32, #tpu.memory_space<hbm>>)
    %dma_wait3A_70 = arith.constant 0 : i32
    %dma_wait3A_71 = tpu.memref_slice %arg4[%mul3A_4, %dma_wait3A_70] : memref<819200x128xf32, #tpu.memory_space<hbm>> -> memref<128x128xf32, #tpu.memory_space<hbm>>
    %dma_wait3A_72 = arith.constant 0 : i32
    %dma_wait3A_73 = tpu.memref_slice %arg4[%mul3A_4, %dma_wait3A_72] : memref<819200x128xf32, #tpu.memory_space<hbm>> -> memref<128x128xf32, #tpu.memory_space<hbm>>
    tpu.wait_dma2 semaphore(%arg23 : memref<!tpu.dma_semaphore, #tpu.memory_space<semaphore_mem>>) src(%arg11 : memref<128x128xf32, #tpu.memory_space<vmem>>) dst(%dma_wait3A_73 : memref<128x128xf32, #tpu.memory_space<hbm>>)
    return
  }
}

module attributes {stable_mosaic.version = 14 : i64} {
  func.func @_tc_body(%arg0: i32, %arg1: memref<64x8192xf32, #tpu.memory_space<vmem>>, %arg2: memref<8192x128xf32, #tpu.memory_space<vmem>>) attributes {dimension_semantics = [#tpu.dimension_semantics<arbitrary>], iteration_bounds = array<i64: 123>, scalar_prefetch = 0 : i64, scratch_operands = 0 : i64, tpu.core_type = #tpu.core_type<tc>, window_params = [{transform_indices = @transform_0, window_bounds = array<i64: 64, 8192>}, {transform_indices = @transform_1, window_bounds = array<i64: 8192, 128>}]} {
    %iota3A = tpu.iota {dimensions = array<i32: 0>} : vector<64x128xi32>
    %iota3A_0 = tpu.iota {dimensions = array<i32: 1>} : vector<64x128xi32>
    %jit3A = arith.constant 64 : i32
    %eq3A = arith.constant 0 : i32
    %eq3A_1 = arith.cmpi eq, %jit3A, %eq3A : i32
    %jit3A_2 = arith.constant 1 : i32
    %select_n3A = arith.select %eq3A_1, %jit3A_2, %jit3A : i32
    %rem3A = vector.broadcast %select_n3A : i32 to vector<64x128xi32>
    %rem3A_3 = arith.remsi %iota3A_0, %rem3A : vector<64x128xi32>
    %ne3A = arith.constant 0 : i32
    %ne3A_4 = vector.broadcast %ne3A : i32 to vector<64x128xi32>
    %ne3A_5 = arith.cmpi ne, %rem3A_3, %ne3A_4 : vector<64x128xi32>
    %lt3A = arith.constant 0 : i32
    %lt3A_6 = vector.broadcast %lt3A : i32 to vector<64x128xi32>
    %lt3A_7 = arith.cmpi slt, %rem3A_3, %lt3A_6 : vector<64x128xi32>
    %lt3A_8 = arith.constant 0 : i32
    %lt3A_9 = arith.cmpi slt, %select_n3A, %lt3A_8 : i32
    %ne3A_10 = vector.broadcast %lt3A_9 : i1 to vector<64x128xi1>
    %ne3A_11 = vector.broadcast %ne3A_10 : vector<64x128xi1> to vector<64x128xi1>
    %ne3A_12 = arith.xori %lt3A_7, %ne3A_11 : vector<64x128xi1>
    %and3A = arith.andi %ne3A_12, %ne3A_5 : vector<64x128xi1>
    %add3A = vector.broadcast %select_n3A : i32 to vector<64x128xi32>
    %add3A_13 = arith.addi %rem3A_3, %add3A : vector<64x128xi32>
    %select_n3A_14 = arith.select %and3A, %add3A_13, %rem3A_3 : vector<64x128xi1>, vector<64x128xi32>
    %eq3A_15 = arith.cmpi eq, %iota3A, %select_n3A_14 : vector<64x128xi32>
    %jit3A_16 = arith.constant 8.000000e+00 : f32
    %jit3A_17 = arith.constant 0.000000e+00 : f32
    %broadcast_in_dim3A = vector.broadcast %jit3A_16 : f32 to vector<64x128xf32>
    %broadcast_in_dim3A_18 = vector.broadcast %jit3A_17 : f32 to vector<64x128xf32>
    %select_n3A_19 = arith.select %eq3A_15, %broadcast_in_dim3A, %broadcast_in_dim3A_18 : vector<64x128xi1>, vector<64x128xf32>
    %get3A = arith.constant 0 : index
    %get3A_20 = arith.constant 0 : index
    %get3A_21 = vector.load %arg1[%get3A, %get3A_20] : memref<64x8192xf32, #tpu.memory_space<vmem>>, vector<64x8192xf32>
    %dot_general3A = arith.constant dense<0.000000e+00> : vector<8192x128xf32>
    %dot_general3A_22 = tpu.matmul %get3A_21, %select_n3A_19, %dot_general3A {dimension_numbers = #tpu.dot_dimension_numbers<[0], [0], [1], [1], [0, 1, 1, 1], [], []>, transpose_lhs_hint = false} : vector<64x8192xf32>, vector<64x128xf32>, vector<8192x128xf32> -> vector<8192x128xf32>
    %swap3A = arith.constant 0 : index
    %swap3A_23 = arith.constant 0 : index
    %swap3A_24 = vector.load %arg2[%swap3A, %swap3A_23] : memref<8192x128xf32, #tpu.memory_space<vmem>>, vector<8192x128xf32>
    tpu.vector_store %arg2[%swap3A, %swap3A_23], %dot_general3A_22 {strides = array<i32>} : memref<8192x128xf32, #tpu.memory_space<vmem>>, vector<8192x128xf32>,
    return
  }
  func.func @transform_0(%arg0: i32) -> (i32, i32) {
    %c0_i32 = arith.constant 0 : i32
    %c0_i32_0 = arith.constant 0 : i32
    return %c0_i32, %arg0 : i32, i32
  }
  func.func @transform_1(%arg0: i32) -> (i32, i32) {
    %c0_i32 = arith.constant 0 : i32
    %c0_i32_0 = arith.constant 0 : i32
    return %arg0, %c0_i32 : i32, i32
  }
}

</mosaic_0001>

<sc_bundles>
// kernel: kernel.4.cloned.1.call-start
scs
__scs_entry_jumppad:
0x0: {  	(pc) =	sbr.rel $0x88, $3  }
0x1: {  	(tag) =	ssettag $0x0;
	lr =	simm.s32 $0x1  }
0x2: {  	[smem:$0x3F9F] =	sst lr;
	_ =	strace $0xD0000000  }
0x3: {  	_ = 	snop  }
0x4: {  	_ = 	snop  }
0x5: {  	_ = 	snop  }
0x6: {  	_ = 	snop  }
0x7: {  	_ = 	snop  }
__scs_overlays_trampoline_lowered:
0x8: {  	[smem:$0x3FAE] =	sst s0  }
0x9: {  	[smem:$0x3FAF] =	sst s1  }
0xa: {  	[smem:$0x3FB0] =	sst s2  }
0xb: {  	[smem:$0x3FB1] =	sst s3  }
0xc: {  	[smem:$0x3FB2] =	sst s4  }
0xd: {  	[smem:$0x3FB3] =	sst s5  }
0xe: {  	[smem:$0x3FB4] =	sst s6  }
0xf: {  	[smem:$0x3FB5] =	sst s7  }
0x10: {  	[smem:$0x3FB6] =	sst s8  }
0x11: {  	[smem:$0x3FB7] =	sst s9;
	s0 =	simm.s32 @!p0 $0x0  }
0x12: {  	s1 =	sld [smem:$0x3F9D];
	s0 =	simm.s32 @p0 $0x1  }
0x13: {  	[smem:$0x3FB8] =	sst s0;
	s0 =	simm.s32 @!p1 $0x0  }
0x14: {  	s2 =	sld [smem:$0x3F9C];
	s0 =	simm.s32 @p1 $0x1  }
0x15: {  	[smem:$0x3FB9] =	sst s0;
	s0 =	simm.s32 @!p2 $0x0  }
0x16: {  	s3 =	sld [smem:$0x3FDB];
	s0 =	simm.s32 @p2 $0x1  }
0x17: {  	s4 =	simm.s32 $0x1BF5;
	[smem:$0x3FBB] =	sst s0  }
0x18: {  	s0 =	sld [smem:$0x3F9E];
	_ =	swait.ge [sflag:s4], $0x0  }
0x19: {  	s7 =	sld [smem:$0x3F9F]  }
0x1a: {  	s8 =	sadd.s32 $0xFFFFE003, lr  }
0x1b: {  	s9 =	sadd.s32 $0xFFFFFEF7, lr;
	s5 =	simm.s32 $0xFFFFFFFF;
	p2 =	slt.u32 s8, $0xFFFFF086  }
0x1c: {  	p1 =	slt.u32 s9, $0xF7A;
	s5 =	simm.s32 @!p2 $0x0  }
0x1d: {  	s5 =	simm.s32 @p1 $0x1;
	p0 =	seq.s32 s7, s2  }
0x1e: {  	s7 =	smul.u32 @!p0 $0xF7A, s2;
	p2 =	seq.s32 @!p0 s5, $0x0  }
0x1f: {  	s9 =	smul.u32 $0xF7A, s1;
	s8 =	simm.s32 @!p0 $0x1BF5;
	p2 =	por !p2, p0  }
0x20: {  	[sflag:s8] =	ssyncset.s32 @!p0 $0xFFFFF086;
	s6 =	sadd.s32 @!p0 s3, s7;
	s7 =	simm.s32 @!p0 $0x108  }
0x21: {  	s3 =	sadd.s32 s3, s9;
	s6 =	sadd.s32 @!p0 $0x88, s6;
	s7 =	simm.s32 @p2 $0x1082  }
0x22: {  	[simem:s7], [sflag:s8] =	dma.local @!p0 [hbm:s6], $0xF7A  }
0x23: {  	s9 =	sor.u32 $0xD0000000, s2;
	s6 =	simm.s32 $0x108;
	_ =	swait.ge @!p0 [sflag:s8], $0x0  }
0x24: {  	s3 =	sadd.s32 $0x88, s3;
	s6 =	simm.s32 @!p1 $0x1082;
	[sflag:s4] =	ssyncset.s32 $0xFFFFF086  }
0x25: {  	[simem:s6], [sflag:s4] =	dma.local [hbm:s3], $0xF7A  }
0x26: {  	[smem:$0x3F9F] =	sst s1;
	(tag) =	ssettag s2;
	_ =	strace s9  }
0x27: {  	s1 =	sld [smem:$0x3FAF]  }
0x28: {  	s2 =	sld [smem:$0x3FB0]  }
0x29: {  	s4 =	sld [smem:$0x3FB2]  }
0x2a: {  	p0 =	seq.s32 s5, $0x0;
	s5 =	sld [smem:$0x3FB3]  }
0x2b: {  	s6 =	sld [smem:$0x3FB4]  }
0x2c: {  	s7 =	sld [smem:$0x3FB5]  }
0x2d: {  	s3 =	simm.s32 $0x108;
	s8 =	sld [smem:$0x3FB6]  }
0x2e: {  	s3 =	simm.s32 @!p0 $0x1082;
	s9 =	sld [smem:$0x3FB7]  }
0x2f: {  	lr =	sadd.s32 s0, s3;
	s0 =	sld [smem:$0x3FAE]  }
0x30: {  	s3 =	sld [smem:$0x3FB1]  }
0x31: {  	[smem:$0x3FBA] =	sst s10  }
0x32: {  	s10 =	sld [smem:$0x3FB8];
	_ =	sdelay $0x3  }
0x33: {  	p0 =	seq.s32 s10, $0x1;
	s10 =	sld [smem:$0x3FBA];
	_ =	sdelay $0x3  }
0x34: {  	[smem:$0x3FBA] =	sst s10  }
0x35: {  	s10 =	sld [smem:$0x3FB9];
	_ =	sdelay $0x3  }
0x36: {  	p1 =	seq.s32 s10, $0x1;
	s10 =	sld [smem:$0x3FBA];
	_ =	sdelay $0x3  }
0x37: {  	[smem:$0x3FBA] =	sst s10  }
0x38: {  	s10 =	sld [smem:$0x3FBB]  }
0x39: {  	_ = 	snop;
	(pc) =	sbr.ind lr, $3  }
0x3a: {  	_ = 	snop  }
0x3b: {  	_ = 	snop  }
0x3c: {  	p2 =	seq.s32 s10, $0x1;
	s10 =	sld [smem:$0x3FBA]  }
0x3d: {  	_ =	shalt  }
0x3e: {  	_ =	shalt  }
0x3f: {  	_ =	shalt  }
0x40: {  	_ =	shalt  }
0x41: {  	_ =	shalt  }
0x42: {  	_ =	shalt  }
0x43: {  	_ =	shalt  }
0x44: {  	_ =	shalt  }
0x45: {  	_ =	shalt  }
0x46: {  	_ =	shalt  }
0x47: {  	_ =	shalt  }
0x48: {  	_ =	shalt  }
0x49: {  	_ =	shalt  }
0x4a: {  	_ =	shalt  }
0x4b: {  	_ =	shalt  }
0x4c: {  	_ =	shalt  }
0x4d: {  	_ =	shalt  }
0x4e: {  	_ =	shalt  }
0x4f: {  	_ =	shalt  }
0x50: {  	_ =	shalt  }
0x51: {  	_ =	shalt  }
0x52: {  	_ =	shalt  }
0x53: {  	_ =	shalt  }
0x54: {  	_ =	shalt  }
0x55: {  	_ =	shalt  }
0x56: {  	_ =	shalt  }
0x57: {  	_ =	shalt  }
0x58: {  	_ =	shalt  }
0x59: {  	_ =	shalt  }
0x5a: {  	_ =	shalt  }
0x5b: {  	_ =	shalt  }
0x5c: {  	_ =	shalt  }
0x5d: {  	_ =	shalt  }
0x5e: {  	_ =	shalt  }
0x5f: {  	_ =	shalt  }
0x60: {  	_ =	shalt  }
0x61: {  	_ =	shalt  }
0x62: {  	_ =	shalt  }
0x63: {  	_ =	shalt  }
0x64: {  	_ =	shalt  }
0x65: {  	_ =	shalt  }
0x66: {  	_ =	shalt  }
0x67: {  	_ =	shalt  }
0x68: {  	_ =	shalt  }
0x69: {  	_ =	shalt  }
0x6a: {  	_ =	shalt  }
0x6b: {  	_ =	shalt  }
0x6c: {  	_ =	shalt  }
0x6d: {  	_ =	shalt  }
0x6e: {  	_ =	shalt  }
0x6f: {  	_ =	shalt  }
0x70: {  	_ =	shalt  }
0x71: {  	_ =	shalt  }
0x72: {  	_ =	shalt  }
0x73: {  	_ =	shalt  }
0x74: {  	_ =	shalt  }
0x75: {  	_ =	shalt  }
0x76: {  	_ =	shalt  }
0x77: {  	_ =	shalt  }
0x78: {  	_ =	shalt  }
0x79: {  	_ =	shalt  }
0x7a: {  	_ =	shalt  }
0x7b: {  	_ =	shalt  }
0x7c: {  	_ =	shalt  }
0x7d: {  	_ =	shalt  }
0x7e: {  	_ =	shalt  }
0x7f: {  	_ =	shalt  }
0x80: {  	_ =	shalt  }
0x81: {  	_ =	shalt  }
0x82: {  	_ =	shalt  }
0x83: {  	_ =	shalt  }
0x84: {  	_ =	shalt  }
0x85: {  	_ =	shalt  }
0x86: {  	_ =	shalt  }
0x87: {  	_ =	shalt  }
.Lfunc_end0:
.L_simem_size_0:
called_computation.1_lowered:
.L_overlay_start_0:
0x88: {  	s2 =	sld [smem:$0x3FD9]  }
0x89: {  	s3 =	sld [smem:$0x3FFE];
	_ =	sdelay $0x1  }
0x8a: {  	s1 =	srdreg.scid  }
0x8b: {  	s0 =	sand.u32 $0x1, s1  }
0x8c: {  	s17 =	sshll.u32 s0, $0xA;
	s2 =	sadd.s32 s3, s2  }
0x8d: {  	s2 =	sadd.s32 s2, s17  }
0x8e: {  	[smem:$0x3FC6] =	sst s2  }
0x8f: {  	_ = 	snop  }
0x90: {  	s2 =	sld [smem:$0x3FD0];
	(tm) =	ssettm $0x1  }
0x91: {  	s18 =	sld [smem:$0x3FFB];
	_ =	sdelay $0x3  }
0x92: {  	_ =	strace s18  }
0x93: {  	s3 =	sld [smem:$0x3FFC];
	_ =	sdelay $0x3  }
0x94: {  	_ =	strace s3  }
0x95: {  	s3 =	sld [smem:$0x3FFD];
	_ =	sdelay $0x3  }
0x96: {  	_ =	strace s3  }
0x97: {  	_ =	strace $0x8FFFFFFF  }
0x98: {  	s19 =	sld [smem:$0x3FDB];
	_ =	sdelay $0x1  }
0x99: {  	s4 =	simm.s32 $_scs_section_size  }
0x9a: {  	s5 =	simm.s32 $_size__tile_overlayer_lowered;
	s6 =	simm.s32 $_tile_overlayer_lowered  }
0x9b: {  	s22 =	simm.s32 $0x1BFF;
	s21 =	sshll.u32 s6, $0x1;
	s3 =	sadd.s32 s4, s19  }
0x9c: {  	s7 =	simm.s32 $0x0;
	s20 =	sshll.u32 s5, $0x1;
	s5 =	sadd.s32 s21, s3  }
0x9d: {  	[timem:s7], [sflag:s22] =	dma.local [hbm:s5], s20  }
0x9e: {  	_ =	swait.ge [sflag:s22], s20  }
0x9f: {  	s4 =	ssub.s32 $0x0, s20;
	[sflag:s22] =	ssyncset.done $0x0  }
0xa0: {  	[sflag:s22] =	ssyncadd.s32 s4;
	_ =	sdelay $0x1  }
0xa1: {  	s23 =	simm.s32 $0x1B8B  }
0xa2: {  	_ =	swait.ge [sflag:s23], $0x1  }
0xa3: {  	[sflag:s23] =	ssyncset.done $0x0  }
0xa4: {  	s25 =	simm.s32 $0x1B8E;
	s24 =	sld [smem:$0x3FFE];
	[sflag:s23] =	ssyncadd.s32 $0xFFFFFFFF  }
0xa5: {  	s26 =	simm.s32 $execute0_lowered;
	[smem:$0x3FD2] =	sst s25  }
0xa6: {  	s5 =	sshll.u32 s26, $0x1;
	_ =	strace $0x80000046;
	[dreg:$0x1] =	wrdreg $0xFFFFFFFF  }
0xa7: {  	s28 =	simm.s32 $_size_execute0_lowered;
	s3 =	sadd.s32 s3, s5;
	[dreg:$0x0] =	wrdreg $0x0  }
0xa8: {  	s5 =	sshll.u32 s28, $0x1;
	[dreg:$0x2] =	wrdreg s3  }
0xa9: {  	[dreg:$0x3] =	wrdreg s5  }
0xaa: {  	[dreg:$0x4] =	wrdreg $0xC0  }
0xab: {  	_ =	task [dreg:s7], $0x5FFFF  }
0xac: {  	[dreg:$0x1] =	wrdreg $0xFFFFFFFF  }
0xad: {  	[dreg:$0x0] =	wrdreg $0x60  }
0xae: {  	[dreg:$0x2] =	wrdreg s24  }
0xaf: {  	[dreg:$0x3] =	wrdreg s2  }
0xb0: {  	[dreg:$0x4] =	wrdreg $0x9  }
0xb1: {  	_ =	task.clear_ibuf [dreg:s7], $0x5FFFF;
	_ =	strace $0x90000046  }
0xb2: {  	s29 =	simm.s32 $0x9;
	_ =	strace $0x80000048  }
0xb3: {  	_ =	swait.ge [sflag:s29], $0x1  }
0xb4: {  	[sflag:s29] =	ssyncadd.s32 $0xFFFFFFFF  }
0xb5: {  	_ =	strace $0x90000048  }
0xb6: {  	_ =	sfence  }
0xb7: {  	s30 =	sld [smem:$0x0];
	_ =	sdelay $0x2  }
0xb8: {  	s31 =	sshll.u32 s1, $0xD;
	s1 =	sshrl.u32 s1, $0x2  }
0xb9: {  	s3 =	sand.u32 $0x4000, s31;
	s1 =	sadd.s32 s1, s30  }
0xba: {  	s0 =	sor.u32 s3, s0;
	s1 =	sshll.u32 s1, $0x11  }
0xbb: {  	s0 =	sor.u32 s1, s0  }
0xbc: {  	s0 =	sadd.s32 $0x8F2B, s0  }
0xbd: {  	[sflag:s0] =	ssyncadd.remote.s32 $0x1  }
0xbe: {  	_ =	sfence.sel $0xFFFF  }
0xbf: {  	[dreg:$0x0] =	wrdreg $0xFFFFFFFF;
	(pc) =	sbr.abs _section_cstart, $3  }
0xc0: {  	[dreg:$0x1] =	wrdreg $0xFFFFFFFF  }
0xc1: {  	_ =	task.clear_ibuf [dreg:s7], $0x2FFFF;
	_ =	strace $0x9FFFFFFF  }
0xc2: {  	(tm) =	ssettm $0x7FFFFFFF  }
0xc3: {  	_ =	shalt  }
tec
execute0_lowered:
.L_overlay_start_1:
0x0: {  	(tag) =	ssettag $0x1  }
0x1: {  	s0 =	rddreg [dreg:$0x0]  }
0x2: {  	s1 =	srdreg.scid;
	s10 =	stileid.u32  }
0x3: {  	s4 =	rddreg [dreg:$0x1];
	s2 =	simm.s32 $0x0;
	s12 =	simm.s32 $0xD  }
0x4: {  	s13 =	simm.s32 $0x80;
	s14 =	simm.s32 $0x6400;
	s15 =	simm.s32 $0xA400  }
0x5: {  	s28 =	simm.s32 $0x8;
	s29 =	simm.s32 $0x9;
	s7 =	smul.u32 $0x640000, s10  }
0x6: {  	s30 =	simm.s32 $0xA;
	s1 =	sand.u32 $0x1, s1;
	s20 =	smul.u32 $0xC8000, s10  }
0x7: {  	s3 =	sshll.u32 s10, $0x1;
	[smem:$0x7FF] =	sst s2;
	s9 =	smul.u32 $0x320000, s1  }
0x8: {  	s3 =	sor.u32 s1, s3;
	s6 =	ssub.s32 $0x2, s1;
	s1 =	smul.u32 $0x64000, s1  }
0x9: {  	s31 =	simm.s32 $0xB;
	_ =	strace $0x80000047;
	s5 =	smul.u32 $0xC80, s3  }
0xa: {  	s3 =	sadd.s32 $0x800, s0;
	s8 =	sshrl.u32 s6, $0x1;
	s0 =	sadd.s32 $0xF60800, s0  }
0xb: {  	s6 =	ssub.s32 s6, s8;
	s7 =	sadd.s32 s9, s7;
	s4 =	sadd.s32 s4, s5  }
0xc: {  	s19 =	smax.u32 s6, $0x1;
	s21 =	sor.u32 $0x14000, s7;
	s9 =	sor.u32 $0xC000, s7  }
0xd: {  	s6 =	sadd.s32 s20, s0;
	s24 =	sor.u32 $0x10000, s7;
	[dreg:$0x3] =	wrdreg s4  }
0xe: {  	s25 =	sor.u32 $0x8000, s7;
	s7 =	sor.u32 $0x4000, s7;
	[dreg:$0x4] =	wrdreg s19  }
0xf: {  	s8 =	sshrl.u32 s21, $0x3;
	s9 =	sshrl.u32 s9, $0x3;
	s1 =	sadd.s32 s1, s6  }
0x10: {  	s6 =	sshrl.u32 s25, $0x3;
	s7 =	sshrl.u32 s7, $0x3;
	s25 =	simm.s32 $0x2  }
0x11: {  	[dreg:$0x5] =	wrdreg s1;
	s22 =	sadd.s32 s8, s0;
	s23 =	sadd.s32 s9, s0  }
0x12: {  	s1 =	sshrl.u32 s24, $0x3;
	s26 =	sadd.s32 s6, s0;
	[dreg:$0x6] =	wrdreg s22  }
0x13: {  	s16 =	sadd.s32 s7, s0;
	s24 =	simm.s32 $0x1;
	[dreg:$0x7] =	wrdreg s23  }
0x14: {  	s1 =	sadd.s32 s1, s0;
	[dreg:$0x9] =	wrdreg s26;
	s26 =	simm.s32 $0x7  }
0x15: {  	s0 =	simm.s32 $0x0;
	[dreg:$0x8] =	wrdreg s1;
	s1 =	simm.s32 $0xC  }
.LBB2_1:
0x16: {  	s4 =	rddreg [dreg:$0x3]  }
0x17: {  	[tilespmem:s2], [sflag:$0xD] =	stream.linear.gather [hbm4b:s4+s2], $0x6400, $0x38;
	[tilespmem:$0x1E400] =	vst v63  }
0x18: {  	_ =	swait.ge [sflag:s12], $0x6400  }
0x19: {  	[sflag:s12] =	ssyncset.done $0x0  }
0x1a: {  	[sflag:s12] =	ssyncadd.s32 $0xFFFF9C00  }
0x1b: {  	[tilespmem:s14], [sflag:$0x1] =	stream.indirect.gather [hbm4b:s3+s13], $0x80, s2, s13, $0xb8;
	[tilespmem:$0x1E400] =	vst v63  }
0x1c: {  	s17 =	simm.s32 $0x100  }
0x1d: {  	[tilespmem:s15], [sflag:$0x2] =	stream.indirect.gather [hbm4b:s3+s13], $0x80, s13, s13, $0xb8;
	[tilespmem:$0x1E400] =	vst v63  }
0x1e: {  	s5 =	simm.s32 $0xE400;
	s18 =	simm.s32 $0x180;
	s10 =	rddreg [dreg:$0x9]  }
0x1f: {  	[tilespmem:s5], [sflag:$0x3] =	stream.indirect.gather [hbm4b:s3+s13], $0x80, s17, s13, $0xb8;
	[tilespmem:$0x1E400] =	vst v63  }
0x20: {  	s19 =	simm.s32 $0x12400;
	s20 =	simm.s32 $0x200;
	s9 =	rddreg [dreg:$0x8]  }
0x21: {  	[tilespmem:s19], [sflag:$0x4] =	stream.indirect.gather [hbm4b:s3+s13], $0x80, s18, s13, $0xb8;
	[tilespmem:$0x1E400] =	vst v63  }
0x22: {  	s21 =	simm.s32 $0x16400;
	s22 =	simm.s32 $0x280;
	s8 =	rddreg [dreg:$0x7]  }
0x23: {  	[tilespmem:s21], [sflag:$0x5] =	stream.indirect.gather [hbm4b:s3+s13], $0x80, s20, s13, $0xb8;
	[tilespmem:$0x1E400] =	vst v63  }
0x24: {  	s23 =	simm.s32 $0x1A400;
	s11 =	smov.u32 s16;
	s7 =	rddreg [dreg:$0x6]  }
0x25: {  	[tilespmem:s23], [sflag:$0x6] =	stream.indirect.gather [hbm4b:s3+s13], $0x80, s22, s13, $0xb8;
	[tilespmem:$0x1E400] =	vst v63  }
0x26: {  	s6 =	rddreg [dreg:$0x5];
	s22 =	simm.s32 $0x0;
	s23 =	simm.s32 $0x0  }
.LBB2_2:
0x27: {  	_ =	swait.ge [sflag:s24], $0x4000  }
0x28: {  	p0 =	seq.s32 s22, $0x18C00;
	[sflag:s24] =	ssyncset.done $0x0  }
0x29: {  	s4 =	simm.s32 @!p0 $0x7;
	[sflag:s24] =	ssyncadd.s32 $0xFFFFC000  }
0x2a: {  	[hbm4b:s6+s2] =	stream.linear.scatter [tilespmem:s14], [sflag:$0x7], $0x4000, $0x38;
	[tilespmem:$0x1E400] =	vst v63  }
0x2b: {  	_ =	swait.ge @!p0 [sflag:s4], $0x4000  }
0x2c: {  	[sflag:s4] =	ssyncset.done @!p0 $0x0  }
0x2d: {  	[sflag:s4] =	ssyncadd.s32 @!p0 $0xFFFFC000;
	s4 =	sshra.s32 @!p0 s22, $0x2  }
0x2e: {  	s21 =	simm.s32 @!p0 $0x80;
	s20 =	simm.s32 @!p0 $0x6400;
	s5 =	sadd.s32 @!p0 $0x300, s4  }
0x2f: {  	[tilespmem:s20], [sflag:$0x1] =	stream.indirect.gather @!p0 [hbm4b:s3+s21], $0x80, s5, s21, $0xb8;
	[tilespmem:$0x1E400] =	vst v63  }
0x30: {  	_ =	swait.ge [sflag:s25], $0x4000  }
0x31: {  	[sflag:s25] =	ssyncset.done $0x0  }
0x32: {  	s5 =	simm.s32 @!p0 $0x8;
	[sflag:s25] =	ssyncadd.s32 $0xFFFFC000  }
0x33: {  	[hbm4b:s11+s2] =	stream.linear.scatter [tilespmem:s15], [sflag:$0x8], $0x4000, $0x38;
	[tilespmem:$0x1E400] =	vst v63  }
0x34: {  	_ =	swait.ge @!p0 [sflag:s5], $0x4000  }
0x35: {  	[sflag:s5] =	ssyncset.done @!p0 $0x0  }
0x36: {  	s4 =	sadd.s32 @!p0 $0x380, s4;
	[sflag:s5] =	ssyncadd.s32 @!p0 $0xFFFFC000;
	s5 =	simm.s32 @!p0 $0xA400  }
0x37: {  	[tilespmem:s5], [sflag:$0x2] =	stream.indirect.gather @!p0 [hbm4b:s3+s21], $0x80, s4, s21, $0xb8;
	[tilespmem:$0x1E400] =	vst v63  }
0x38: {  	s4 =	simm.s32 @!p0 $0x3  }
0x39: {  	p1 =	sgt.u32 @!p0 s23, $0x1F;
	_ =	swait.ge @!p0 [sflag:s4], $0x4000  }
0x3a: {  	p2 =	por !p1, p0;
	[sflag:s4] =	ssyncset.done @!p0 $0x0  }
0x3b: {  	s5 =	simm.s32 @!p0 $0xE400;
	[sflag:s4] =	ssyncadd.s32 @!p0 $0xFFFFC000;
	s4 =	simm.s32 @!p0 $0x0  }
0x3c: {  	[hbm4b:s10+s4] =	stream.linear.scatter @!p0 [tilespmem:s5], [sflag:$0x9], $0x4000, $0x38;
	[tilespmem:$0x1E400] =	vst v63  }
0x3d: {  	s5 =	simm.s32 @!p2 $0x4  }
0x3e: {  	_ =	swait.ge @!p2 [sflag:s5], $0x4000  }
0x3f: {  	p1 =	por p1, p0;
	[sflag:s5] =	ssyncset.done @!p2 $0x0  }
0x40: {  	s20 =	simm.s32 @!p2 $0x12400;
	[sflag:s5] =	ssyncadd.s32 @!p2 $0xFFFFC000;
	s5 =	simm.s32 @!p2 $0x0  }
0x41: {  	[hbm4b:s8+s5] =	stream.linear.scatter @!p2 [tilespmem:s20], [sflag:$0xA], $0x4000, $0x38;
	[tilespmem:$0x1E400] =	vst v63  }
0x42: {  	s20 =	simm.s32 @!p1 $0x9  }
0x43: {  	_ =	swait.ge @!p1 [sflag:s20], $0x4000  }
0x44: {  	[sflag:s20] =	ssyncset.done @!p1 $0x0  }
0x45: {  	[sflag:s20] =	ssyncadd.s32 @!p1 $0xFFFFC000;
	s20 =	sshra.s32 @!p1 s22, $0x2  }
0x46: {  	s19 =	simm.s32 @!p1 $0x80;
	s18 =	simm.s32 @!p1 $0xE400;
	s21 =	sadd.s32 @!p1 $0x400, s20  }
0x47: {  	[tilespmem:s18], [sflag:$0x3] =	stream.indirect.gather @!p1 [hbm4b:s3+s19], $0x80, s21, s19, $0xb8;
	[tilespmem:$0x1E400] =	vst v63  }
0x48: {  	s18 =	simm.s32 @!p1 $0x4  }
0x49: {  	_ =	swait.ge @!p1 [sflag:s18], $0x4000  }
0x4a: {  	s17 =	simm.s32 @!p1 $0xA;
	[sflag:s18] =	ssyncset.done @!p1 $0x0  }
0x4b: {  	s21 =	simm.s32 @!p1 $0x12400;
	[sflag:s18] =	ssyncadd.s32 @!p1 $0xFFFFC000;
	s18 =	simm.s32 @!p1 $0x0  }
0x4c: {  	[hbm4b:s8+s18] =	stream.linear.scatter @!p1 [tilespmem:s21], [sflag:$0xA], $0x4000, $0x38;
	[tilespmem:$0x1E400] =	vst v63  }
0x4d: {  	_ =	swait.ge @!p1 [sflag:s17], $0x4000  }
0x4e: {  	[sflag:s17] =	ssyncset.done @!p1 $0x0  }
0x4f: {  	[sflag:s17] =	ssyncadd.s32 @!p1 $0xFFFFC000;
	s17 =	sadd.s32 @!p1 $0x480, s20  }
0x50: {  	[tilespmem:s21], [sflag:$0x4] =	stream.indirect.gather @!p1 [hbm4b:s3+s19], $0x80, s17, s19, $0xb8;
	[tilespmem:$0x1E400] =	vst v63  }
0x51: {  	s17 =	simm.s32 @!p0 $0x5  }
0x52: {  	_ =	swait.ge @!p0 [sflag:s17], $0x4000  }
0x53: {  	[sflag:s17] =	ssyncset.done @!p0 $0x0  }
0x54: {  	[sflag:s17] =	ssyncadd.s32 @!p0 $0xFFFFC000;
	s17 =	simm.s32 @!p0 $0x16400  }
0x55: {  	[hbm4b:s9+s4] =	stream.linear.scatter @!p0 [tilespmem:s17], [sflag:$0xB], $0x4000, $0x38;
	[tilespmem:$0x1E400] =	vst v63  }
0x56: {  	s4 =	simm.s32 @!p2 $0x6  }
0x57: {  	_ =	swait.ge @!p2 [sflag:s4], $0x4000  }
0x58: {  	[sflag:s4] =	ssyncset.done @!p2 $0x0  }
0x59: {  	[sflag:s4] =	ssyncadd.s32 @!p2 $0xFFFFC000;
	s4 =	simm.s32 @!p2 $0x1A400  }
0x5a: {  	[hbm4b:s7+s5] =	stream.linear.scatter @!p2 [tilespmem:s4], [sflag:$0xC], $0x4000, $0x38;
	[tilespmem:$0x1E400] =	vst v63  }
0x5b: {  	s4 =	simm.s32 @!p1 $0xB  }
0x5c: {  	_ =	swait.ge @!p1 [sflag:s4], $0x4000  }
0x5d: {  	[sflag:s4] =	ssyncset.done @!p1 $0x0  }
0x5e: {  	s5 =	simm.s32 @!p1 $0x16400;
	[sflag:s4] =	ssyncadd.s32 @!p1 $0xFFFFC000;
	s4 =	sadd.s32 @!p1 $0x500, s20  }
0x5f: {  	[tilespmem:s5], [sflag:$0x5] =	stream.indirect.gather @!p1 [hbm4b:s3+s19], $0x80, s4, s19, $0xb8;
	[tilespmem:$0x1E400] =	vst v63  }
0x60: {  	s4 =	simm.s32 @!p1 $0x6  }
0x61: {  	_ =	swait.ge @!p1 [sflag:s4], $0x4000  }
0x62: {  	[sflag:s4] =	ssyncset.done @!p1 $0x0  }
0x63: {  	s5 =	simm.s32 @!p1 $0xC;
	[sflag:s4] =	ssyncadd.s32 @!p1 $0xFFFFC000;
	s4 =	simm.s32 @!p1 $0x1A400  }
0x64: {  	[hbm4b:s7+s18] =	stream.linear.scatter @!p1 [tilespmem:s4], [sflag:$0xC], $0x4000, $0x38;
	[tilespmem:$0x1E400] =	vst v63  }
0x65: {  	_ =	swait.ge @!p1 [sflag:s5], $0x4000  }
0x66: {  	[sflag:s5] =	ssyncset.done @!p1 $0x0  }
0x67: {  	s22 =	sadd.s32 @!p0 $0xC00, s22;
	[sflag:s5] =	ssyncadd.s32 @!p1 $0xFFFFC000;
	s5 =	sadd.s32 @!p1 $0x580, s20  }
0x68: {  	[tilespmem:s4], [sflag:$0x6] =	stream.indirect.gather @!p1 [hbm4b:s3+s19], $0x80, s5, s19, $0xb8;
	[tilespmem:$0x1E400] =	vst v63  }
0x69: {  	p1 =	sne.s32 @!p0 s22, $0x19800  }
0x6a: {  	p1 =	por p0, !p1  }
.Ltmp0:
0x6b: {  	_ = 	snop;
	(pc) =	sbr.rel @!p1 .LBB2_2-.Ltmp0, $4  }
0x6c: {  	_ = 	snop  }
0x6d: {  	s23 =	sadd.s32 @!p0 $0x1, s23  }
0x6e: {  	s6 =	sadd.s32 @!p0 $0x3000, s6;
	s11 =	sadd.s32 @!p0 $0x3000, s11;
	s10 =	sadd.s32 @!p0 $0x3000, s10  }
0x6f: {  	s8 =	sadd.s32 @!p0 $0x3000, s8;
	s9 =	sadd.s32 @!p0 $0x3000, s9;
	s7 =	sadd.s32 @!p0 $0x3000, s7  }
0x70: {  	_ =	swait.ge [sflag:s26], $0x4000  }
0x71: {  	[sflag:s26] =	ssyncset.done $0x0  }
0x72: {  	[sflag:s26] =	ssyncadd.s32 $0xFFFFC000  }
0x73: {  	_ =	swait.ge [sflag:s28], $0x4000  }
0x74: {  	[sflag:s28] =	ssyncset.done $0x0  }
0x75: {  	[sflag:s28] =	ssyncadd.s32 $0xFFFFC000  }
0x76: {  	_ =	swait.ge [sflag:s29], $0x4000  }
0x77: {  	[sflag:s29] =	ssyncset.done $0x0  }
0x78: {  	[sflag:s29] =	ssyncadd.s32 $0xFFFFC000  }
0x79: {  	_ =	swait.ge [sflag:s30], $0x4000  }
0x7a: {  	[sflag:s30] =	ssyncset.done $0x0  }
0x7b: {  	[sflag:s30] =	ssyncadd.s32 $0xFFFFC000  }
0x7c: {  	_ =	swait.ge [sflag:s31], $0x4000  }
0x7d: {  	[sflag:s31] =	ssyncset.done $0x0  }
0x7e: {  	[sflag:s31] =	ssyncadd.s32 $0xFFFFC000  }
0x7f: {  	_ =	swait.ge [sflag:s1], $0x4000  }
0x80: {  	s0 =	sadd.s32 $0x1, s0;
	s4 =	rddreg [dreg:$0x4]  }
0x81: {  	p0 =	sne.s32 s0, s4  }
.Ltmp1:
0x82: {  	_ = 	snop;
	(pc) =	sbr.rel @p0 .LBB2_1-.Ltmp1, $3  }
0x83: {  	_ =	sdelay $0x1  }
0x84: {  	[sflag:s1] =	ssyncset.done $0x0  }
0x85: {  	[sflag:s1] =	ssyncadd.s32 $0xFFFFC000  }
0x86: {  	_ =	sfence.sel $0x180000  }
0x87: {  	[bflag:$0x0] =	sbarrier.arrive $0xFFFF  }
0x88: {  	_ =	strace $0x90000047  }
0x89: {  	s0 =	stileid.u32;
	[bflag:$0x2] =	sbarrier.arrive $0xFFFF  }
0x8a: {  	p0 =	sne.s32 s0, $0x0;
	s0 =	rddreg [dreg:$0x2]  }
0x8b: {  	s0 =	sadd.s32 @!p0 $0x100000, s0  }
0x8c: {  	[sflag:s0] =	ssyncadd.tile.s32 @!p0 $0x1;
	_ =	shalt  }
.Lfunc_end2:
_tile_overlayer_lowered:
.L_overlay_start_2:
0x8d: {  	(tag) =	ssettag $0x2  }
0x8e: {  	s0 =	rddreg [dreg:$0x0];
	s2 =	stileid.u32  }
0x8f: {  	s1 =	rddreg [dreg:$0x1];
	p0 =	sne.s32 s2, $0x0  }
0x90: {  	s3 =	rddreg [dreg:$0x2];
	[bflag:$0x3] =	sbarrier.arrive $0xFFFF;
	s2 =	simm.s32 @!p0 $0x1C0D  }
0x91: {  	[timem:s3], [sflag:s2] =	dma.local @!p0 [hbm:s0], s1  }
0x92: {  	s0 =	simm.s32 @!p0 $0xD  }
0x93: {  	_ =	swait.ge @!p0 [sflag:s0], s1  }
0x94: {  	s1 =	ssub.s32 @!p0 $0x0, s1;
	[sflag:s0] =	ssyncset.done @!p0 $0x0  }
0x95: {  	[sflag:s0] =	ssyncadd.s32 @!p0 s1  }
0x96: {  	[bflag:$0x3] =	sbarrier.arrive $0xFFFF  }
0x97: {  	_ =	shalt  }

// kernel: sparse-core-data-format-call.cloned.1.call-start
scs
called_computation_lowered:
.L_overlay_start_0:
0x0: {  	s2 =	sld [smem:$0x3FD9]  }
0x1: {  	s3 =	sld [smem:$0x3FFE];
	_ =	sdelay $0x1  }
0x2: {  	s1 =	srdreg.scid  }
0x3: {  	s0 =	sand.u32 $0x1, s1  }
0x4: {  	s18 =	sshll.u32 s0, $0xA;
	s2 =	sadd.s32 s3, s2  }
0x5: {  	s2 =	sadd.s32 s2, s18  }
0x6: {  	[smem:$0x3FC6] =	sst s2  }
0x7: {  	_ = 	snop  }
0x8: {  	s2 =	sld [smem:$0x3FD0];
	(tm) =	ssettm $0x1  }
0x9: {  	s19 =	sld [smem:$0x3FFB];
	_ =	sdelay $0x3  }
0xa: {  	_ =	strace s19  }
0xb: {  	s3 =	sld [smem:$0x3FFC];
	_ =	sdelay $0x3  }
0xc: {  	_ =	strace s3  }
0xd: {  	s3 =	sld [smem:$0x3FFD];
	_ =	sdelay $0x3  }
0xe: {  	_ =	strace s3  }
0xf: {  	_ =	strace $0x8FFFFFFF  }
0x10: {  	s20 =	sld [smem:$0x3FDB];
	_ =	sdelay $0x1  }
0x11: {  	s4 =	simm.s32 $_scs_section_size  }
0x12: {  	s5 =	simm.s32 $_size__tile_overlayer_lowered;
	s6 =	simm.s32 $_tile_overlayer_lowered  }
0x13: {  	s23 =	simm.s32 $0x1BFF;
	s22 =	sshll.u32 s6, $0x1;
	s3 =	sadd.s32 s4, s20  }
0x14: {  	s7 =	simm.s32 $0x0;
	s21 =	sshll.u32 s5, $0x1;
	s5 =	sadd.s32 s22, s3  }
0x15: {  	[timem:s7], [sflag:s23] =	dma.local [hbm:s5], s21  }
0x16: {  	_ =	swait.ge [sflag:s23], s21  }
0x17: {  	s4 =	ssub.s32 $0x0, s21;
	[sflag:s23] =	ssyncset.done $0x0  }
0x18: {  	[sflag:s23] =	ssyncadd.s32 s4;
	_ =	sdelay $0x1  }
0x19: {  	s24 =	simm.s32 $0x1B8B  }
0x1a: {  	_ =	swait.ge [sflag:s24], $0x1  }
0x1b: {  	[sflag:s24] =	ssyncset.done $0x0  }
0x1c: {  	s26 =	simm.s32 $0x1B8E;
	s25 =	sld [smem:$0x3FFE];
	[sflag:s24] =	ssyncadd.s32 $0xFFFFFFFF  }
0x1d: {  	s27 =	simm.s32 $execute0_lowered;
	[smem:$0x3FD2] =	sst s26  }
0x1e: {  	s5 =	sshll.u32 s27, $0x1;
	_ =	strace $0x80000049;
	[dreg:$0x1] =	wrdreg $0xFFFFFFFF  }
0x1f: {  	s28 =	simm.s32 $_size_execute0_lowered;
	s3 =	sadd.s32 s3, s5;
	[dreg:$0x0] =	wrdreg $0x0  }
0x20: {  	s5 =	sshll.u32 s28, $0x1;
	[dreg:$0x2] =	wrdreg s3  }
0x21: {  	[dreg:$0x3] =	wrdreg s5  }
0x22: {  	[dreg:$0x4] =	wrdreg $0xC0  }
0x23: {  	_ =	task [dreg:s7], $0x5FFFF  }
0x24: {  	[dreg:$0x1] =	wrdreg $0xFFFFFFFF  }
0x25: {  	[dreg:$0x0] =	wrdreg $0x60  }
0x26: {  	[dreg:$0x2] =	wrdreg s25  }
0x27: {  	[dreg:$0x3] =	wrdreg s2  }
0x28: {  	[dreg:$0x4] =	wrdreg $0x9  }
0x29: {  	_ =	task.clear_ibuf [dreg:s7], $0x5FFFF;
	_ =	strace $0x90000049  }
0x2a: {  	s29 =	simm.s32 $0x9;
	_ =	strace $0x8000004B  }
0x2b: {  	_ =	swait.ge [sflag:s29], $0x1  }
0x2c: {  	[sflag:s29] =	ssyncadd.s32 $0xFFFFFFFF  }
0x2d: {  	_ =	strace $0x9000004B  }
0x2e: {  	_ =	sfence  }
0x2f: {  	s30 =	sld [smem:$0x0];
	_ =	sdelay $0x2  }
0x30: {  	s31 =	sshll.u32 s1, $0xD;
	s1 =	sshrl.u32 s1, $0x2  }
0x31: {  	s3 =	sand.u32 $0x4000, s31;
	s1 =	sadd.s32 s1, s30  }
0x32: {  	s0 =	sor.u32 s3, s0;
	s1 =	sshll.u32 s1, $0x11  }
0x33: {  	s0 =	sor.u32 s1, s0  }
0x34: {  	s0 =	sadd.s32 $0x8F2B, s0  }
0x35: {  	[sflag:s0] =	ssyncadd.remote.s32 $0x1  }
0x36: {  	_ =	sfence.sel $0xFFFF  }
0x37: {  	[dreg:$0x0] =	wrdreg $0xFFFFFFFF;
	(pc) =	sbr.abs _section_cstart, $3  }
0x38: {  	[dreg:$0x1] =	wrdreg $0xFFFFFFFF  }
0x39: {  	_ =	task.clear_ibuf [dreg:s7], $0x2FFFF;
	_ =	strace $0x9FFFFFFF  }
0x3a: {  	(tm) =	ssettm $0x7FFFFFFF  }
0x3b: {  	_ =	shalt  }
tec
execute0_lowered:
.L_overlay_start_1:
0x0: {  	(tag) =	ssettag $0x1  }
0x1: {  	s0 =	srdreg.scid  }
0x2: {  	s1 =	sshll.u32 s0, $0x4  }
0x3: {  	s0 =	stileid.u32;
	s1 =	sand.u32 $0x10, s1  }
0x4: {  	s1 =	sor.u32 s0, s1  }
0x5: {  	s6 =	rddreg [dreg:$0x0];
	s4 =	simm.s32 $0x1;
	s2 =	sshll.u32 s1, $0x7  }
0x6: {  	s7 =	simm.s32 $0x2;
	s12 =	simm.s32 $0x0;
	s1 =	ssub.s32 $0x1000, s2  }
0x7: {  	s8 =	simm.s32 $0x8000;
	s13 =	simm.s32 $0x0;
	s3 =	sand.u32 $0xF80, s1  }
0x8: {  	s9 =	simm.s32 $0x0;
	s5 =	sshrl.u32 s1, $0xC;
	p0 =	sne.s32 s3, $0x0  }
.Ltmp0:
0x9: {  	s1 =	rddreg [dreg:$0x2];
	s4 =	simm.s32 @!p0 $0x0;
	(pc) =	sbr.rel .LBB1_1-.Ltmp0, $4  }
0xa: {  	s11 =	simm.s32 $0x0;
	s3 =	rddreg [dreg:$0x1];
	s5 =	sadd.s32 s4, s5  }
0xb: {  	_ =	strace $0x8000004A;
	s4 =	simm.s32 $0x1;
	s5 =	smul.u32 $0xC8, s5  }
0xc: {  	s6 =	sadd.s32 $0xF60800, s6;
	s10 =	smov.u32 s2;
	[sflag:s4] =	ssyncpa.u1 $0x0  }
0xd: {  	p0 =	por $0x0, $0x0;
	[sflag:s7] =	ssyncpa.u1 $0x0;
	s7 =	sor.u32 $0x1, s5  }
.LBB1_4:
0xe: {  	s16 =	sshll.u32 s13, $0x3;
	s17 =	sand.u32 $0x78, s13  }
0xf: {  	s30 =	sand.u32 $0x7E00, s13;
	s12 =	sshll.u32 s12, $0xF;
	s16 =	sand.u32 $0xC00, s16  }
0x10: {  	[tilespmem:s15+$0x810 ss:$0x81] =	vst.msk $0xffff, v2;
	s31 =	sand.u32 $0x7, s13;
	s16 =	sor.u32 s17, s16;
	s17 =	sadd.s32 s3, s30  }
0x11: {  	[tilespmem:s15+$0x1020 ss:$0x81] =	vst.msk $0xffff, v0;
	s13 =	sshll.u32 s31, $0x12;
	s12 =	sadd.s32 s12, s17;
	s16 =	sshrl.u32 s16, $0x3  }
0x12: {  	[tilespmem:s15+$0x0 ss:$0x81] =	vst.msk $0xffff, v1;
	s13 =	sor.u32 $0x400, s13;
	s12 =	sadd.s32 s16, s12  }
0x13: {  	[hbm4b:s12+s13] =	stream.strided.scatter [tilespmem:s14], [sflag:$0x2], $0x2000, s8, s13, $0x20;
	[tilespmem:$0x8080] =	vst v63  }
.LBB1_5:
0x14: {  	s14 =	sadd.s32 $0x1, s9  }
0x15: {  	s12 =	sadd.s32 $0x1000, s10;
	s16 =	smov.u32 s10;
	p2 =	sgt.s32 s14, $0xC7  }
0x16: {  	s16 =	smov.u32 @p2 s12  }
0x17: {  	s14 =	simm.s32 @p2 $0x0;
	p2 =	sgt.s32 s16, $0xFFF  }
0x18: {  	s16 =	smov.u32 @p2 s2;
	p2 =	sne.s32 s11, s7  }
.Ltmp1:
0x19: {  	p1 =	slt.u32 s11, $0x2;
	(pc) =	sbr.rel @!p2 .LBB1_6-.Ltmp1, $4  }
0x1a: {  	s15 =	simm.s32 @!p1 $0x2  }
0x1b: {  	s13 =	smov.u32 s10;
	p0 =	por !p0, !p0;
	_ =	swait.ge @!p1 [sflag:s15], $0x2000  }
0x1c: {  	s12 =	smov.u32 s9;
	[sflag:s15] =	ssyncset.done @!p1 $0x0;
	s9 =	smov.u32 s14  }
0x1d: {  	s11 =	sadd.s32 $0x1, s11;
	[sflag:s15] =	ssyncadd.s32 @!p1 $0xFFFFE000;
	s10 =	smov.u32 s16  }
.LBB1_1:
0x1e: {  	p1 =	sge.u32 s11, s5  }
0x1f: {  	s14 =	sand.u32 @!p1 $0x1FFFFFF, s9  }
0x20: {  	s15 =	smulhi.u32 @!p1 $0x147AE15, s14;
	_ =	sdelay $0x1  }
0x21: {  	s15 =	smul.u32 @!p1 $0xC8, s15  }
0x22: {  	s16 =	sxor.u32 @!p1 $0xFFFFFFFF, s11;
	s17 =	smul.u32 @!p1 $0xC80, s10  }
0x23: {  	s31 =	sadd.s32 $0xFFFFFFFF, s11;
	s16 =	sshll.u32 @!p1 s16, $0xD;
	s14 =	ssub.s32 @!p1 s14, s15  }
0x24: {  	s15 =	sand.u32 @!p1 $0x2000, s16;
	s16 =	sadd.s32 @!p1 s6, s17;
	s14 =	sshll.u32 @!p1 s14, $0x4  }
0x25: {  	s17 =	simm.s32 @!p1 $0x6400;
	s14 =	sadd.s32 @!p1 s14, s16;
	s16 =	simm.s32 @!p1 $0x40  }
0x26: {  	[tilespmem:s15], [sflag:$0x1] =	stream.strided.gather @!p1 [hbm4b:s14+s16], $0x2000, s17, s16, $0x38;
	[tilespmem:$0x8080] =	vst v63  }
0x27: {  	p1 =	sge.u32 s31, s5  }
.Ltmp2:
0x28: {  	_ = 	snop;
	(pc) =	sbr.rel @p1 .LBB1_5-.Ltmp2, $1  }
0x29: {  	_ =	sdelay $0x3  }
0x2a: {  	s14 =	simm.s32 $0x1  }
0x2b: {  	_ =	swait.ge [sflag:s4], $0x2000;
	s14 =	simm.s32 @!p0 $0x0  }
0x2c: {  	[sflag:s4] =	ssyncset.done $0x0;
	s15 =	sshll.u32 s14, $0xD  }
0x2d: {  	[sflag:s4] =	ssyncadd.s32 $0xFFFFE000;
	s18 =	sor.u32 $0x20, s15  }
0x2e: {  	s14 =	smul.u32 $0x8100, s14;
	v3 =	vld [tilespmem:s18+$0x10]  }
0x2f: {  	s30 =	sand.u32 $0x1, s11;
	v2 =	vld [tilespmem:s18+$0xFFFFFFF0]  }
0x30: {  	s15 =	smul.u32 $0x8100, s30;
	s14 =	sshrl.u32 s14, $0x2;
	v0 =	vld [tilespmem:s18+$0x0]  }
0x31: {  	v1 =	vld [tilespmem:s18+$0xFFFFFFE0];
	s16 =	sor.u32 $0x4000, s14  }
0x32: {  	s31 =	sshrl.u32 s15, $0x2;
	s15 =	sadd.s32 $0x0, s16  }
0x33: {  	s17 =	simm.s32 $0x4;
	s18 =	sadd.s32 $0x40, s18;
	s14 =	sor.u32 $0x4000, s31;
	[tilespmem:s15+$0x1830 ss:$0x81] =	vst.msk $0xffff, v3  }
.LBB1_3:
0x34: {  	v3 =	vld [tilespmem:s18+$0x10];
	p1 =	sne.s32 s17, $0x1FC;
	[tilespmem:s15+$0x810 ss:$0x81] =	vst.msk $0xffff, v2;
	s19 =	smov.u32 s17;
	s17 =	sadd.s32 $0x4, s17  }
.Ltmp3:
0x35: {  	v2 =	vld [tilespmem:s18+$0xFFFFFFF0];
	[tilespmem:s15+$0x1020 ss:$0x81] =	vst.msk $0xffff, v0;
	(pc) =	sbr.rel @p1 .LBB1_3-.Ltmp3, $4  }
0x36: {  	v0 =	vld [tilespmem:s18+$0x0];
	[tilespmem:s15+$0x0 ss:$0x81] =	vst.msk $0xffff, v1  }
0x37: {  	s15 =	sshra.s32 s19, $0x2;
	v1 =	vld [tilespmem:s18+$0xFFFFFFE0]  }
0x38: {  	s15 =	sadd.s32 s15, s16  }
0x39: {  	s18 =	sadd.s32 $0x40, s18;
	[tilespmem:s15+$0x1830 ss:$0x81] =	vst.msk $0xffff, v3  }
.Ltmp4:
0x3a: {  	_ = 	snop;
	(pc) =	sbr.rel .LBB1_4-.Ltmp4, $1  }
0x3b: {  	_ =	sdelay $0x3  }
.LBB1_6:
0x3c: {  	_ =	sfence.sel $0x180000  }
0x3d: {  	s2 =	simm.s32 $0x1;
	[bflag:$0x0] =	sbarrier.arrive $0xFFFF  }
0x3e: {  	s31 =	simm.s32 $0x2;
	[sflag:s2] =	ssyncpa.u1 $0x1  }
0x3f: {  	[sflag:s31] =	ssyncpa.u1 $0x1  }
0x40: {  	p0 =	sne.s32 s0, $0x0;
	_ =	strace $0x9000004A  }
0x41: {  	s0 =	sadd.s32 @!p0 $0x100000, s1;
	[bflag:$0x2] =	sbarrier.arrive $0xFFFF  }
0x42: {  	[sflag:s0] =	ssyncadd.tile.s32 @!p0 $0x1;
	_ =	shalt  }
.Lfunc_end1:
_tile_overlayer_lowered:
.L_overlay_start_2:
0x43: {  	(tag) =	ssettag $0x2  }
0x44: {  	s0 =	rddreg [dreg:$0x0];
	s2 =	stileid.u32  }
0x45: {  	s1 =	rddreg [dreg:$0x1];
	p0 =	sne.s32 s2, $0x0  }
0x46: {  	s3 =	rddreg [dreg:$0x2];
	[bflag:$0x3] =	sbarrier.arrive $0xFFFF;
	s2 =	simm.s32 @!p0 $0x1C01  }
0x47: {  	[timem:s3], [sflag:s2] =	dma.local @!p0 [hbm:s0], s1  }
0x48: {  	s0 =	simm.s32 @!p0 $0x1  }
0x49: {  	_ =	swait.ge @!p0 [sflag:s0], s1  }
0x4a: {  	s1 =	ssub.s32 @!p0 $0x0, s1;
	[sflag:s0] =	ssyncset.done @!p0 $0x0  }
0x4b: {  	[sflag:s0] =	ssyncadd.s32 @!p0 s1  }
0x4c: {  	[bflag:$0x3] =	sbarrier.arrive $0xFFFF  }
0x4d: {  	_ =	shalt  }

</sc_bundles>
